<compile_context>
chip_gen: v7x
topology: tpu7x:2x2x1
jax: 0.10.2.dev20260603
libtpu: 0.0.44.dev20260713+nightly
codegen_flags: <defaults>
</compile_context>

<pallas_src>
import functools

import jax
import jax.numpy as jnp
from jax import lax
from jax.experimental import pallas as pl
from jax.experimental.pallas import tpu as pltpu
from jax.experimental.pallas import tpu_sc as plsc

jax.config.update("jax_enable_x64", True)

_FACTOR = 13.605693122994 * 0.5291772105638411

_N = 100000
_M = 64
_NW = 32
_BLK = 128
_HJ = _M // 2
_L = 16
_GRP = _BLK // _L
_BLKS_MAIN = 25
_BLKS_LAST = 6
_TAIL0 = 31 * _BLKS_MAIN * _BLK + _BLKS_LAST * _BLK
_TAIL = _N - _TAIL0


@functools.cache
def _build_sc_call():
    mesh = plsc.VectorSubcoreMesh(core_axis_name="c", subcore_axis_name="s")
    info = plsc.get_sparse_core_info()
    nc = info.num_cores

    @functools.partial(
        pl.kernel,
        mesh=mesh,
        out_type=jax.ShapeDtypeStruct((_NW, _L), jnp.float32),
        scratch_types=[
            pltpu.VMEM((_N,), jnp.float32),
            pltpu.VMEM((_HJ, _BLK), jnp.uint32),
            pltpu.VMEM((_HJ, _BLK), jnp.uint32),
            pltpu.VMEM((_HJ, _BLK), jnp.float32),
            pltpu.VMEM((_HJ, _BLK), jnp.float32),
            pltpu.VMEM((_HJ, _TAIL), jnp.uint32),
            pltpu.VMEM((_HJ, _TAIL), jnp.float32),
            pltpu.VMEM((_L,), jnp.float32),
            pltpu.SemaphoreType.DMA,
            pltpu.SemaphoreType.DMA,
            pltpu.SemaphoreType.DMA,
        ],
        compiler_params=pltpu.CompilerParams(needs_layout_passes=False),
    )
    def sc_energy(q_hbm, nb_hbm, d_hbm, out_hbm,
                  qtab, nb0, nb1, d0, d1, ntb, dtb, accv, sem0, sem1, semq):
        wid = lax.axis_index("s") * jnp.int32(nc) + lax.axis_index("c")
        astart = wid * jnp.int32(_BLKS_MAIN * _BLK)
        nblk = jnp.where(wid == jnp.int32(_NW - 1),
                         jnp.int32(_BLKS_LAST), jnp.int32(_BLKS_MAIN))
        pltpu.async_copy(q_hbm.at[jnp.int32(0)], qtab, semq)

        nbufs = (nb0, nb1)
        dbufs = (d0, d1)
        sems = (sem0, sem1)

        def _slices(blk, jh):
            a0 = astart + jnp.minimum(blk, nblk - 1) * jnp.int32(_BLK)
            nb_sl = nb_hbm.at[pl.ds(jh * _HJ, _HJ), pl.ds(a0, _BLK)]
            d_sl = d_hbm.at[pl.ds(jh * _HJ, _HJ), pl.ds(a0, _BLK)]
            return nb_sl, d_sl

        def start(slot, blk, jh):
            nb_sl, d_sl = _slices(blk, jh)
            pltpu.async_copy(nb_sl, nbufs[slot], sems[slot])
            pltpu.async_copy(d_sl, dbufs[slot], sems[slot])

        def wait(slot, blk, jh):
            nb_sl, d_sl = _slices(blk, jh)
            pltpu.make_async_copy(nb_sl, nbufs[slot], sems[slot]).wait()
            pltpu.make_async_copy(d_sl, dbufs[slot], sems[slot]).wait()

        def compute(slot, blk, acc):
            nbv, dv = nbufs[slot], dbufs[slot]
            a0 = astart + blk * jnp.int32(_BLK)

            def jbody(j, ss):
                out = []
                for g in range(_GRP):
                    idx = plsc.bitcast(nbv[j, pl.ds(g * _L, _L)], jnp.int32)
                    dd = dv[j, pl.ds(g * _L, _L)]
                    qj = plsc.load_gather(qtab, [idx])
                    out.append(ss[g] + qj / dd)
                return tuple(out)

            ss = lax.fori_loop(
                jnp.int32(0), jnp.int32(_HJ), jbody,
                tuple(jnp.zeros((_L,), jnp.float32) for _ in range(_GRP)),
            )
            for g in range(_GRP):
                qi = qtab[pl.ds(a0 + jnp.int32(g * _L), _L)]
                acc = acc + ss[g] * qi
            return acc

        start(0, jnp.int32(0), 0)
        pltpu.make_async_copy(q_hbm.at[jnp.int32(0)], qtab, semq).wait()

        def pair_body(p, acc):
            start(1, p, 1)
            wait(0, p, 0)
            acc = compute(0, p, acc)
            start(0, p + jnp.int32(1), 0)
            wait(1, p, 1)
            return compute(1, p, acc)

        acc = lax.fori_loop(
            jnp.int32(0), nblk, pair_body, jnp.zeros((_L,), jnp.float32)
        )
        wait(0, nblk - jnp.int32(1), 0)

        def tail_jbody(j, ss):
            out = []
            for g in range(_TAIL // _L):
                idx = plsc.bitcast(ntb[j, pl.ds(g * _L, _L)], jnp.int32)
                dd = dtb[j, pl.ds(g * _L, _L)]
                qj = plsc.load_gather(qtab, [idx])
                out.append(ss[g] + qj / dd)
            return tuple(out)

        t0 = jnp.int32(_TAIL0)
        tss = tuple(jnp.zeros((_L,), jnp.float32) for _ in range(_TAIL // _L))
        for jh in range(2):
            pltpu.sync_copy(
                nb_hbm.at[pl.ds(jh * _HJ, _HJ), pl.ds(t0, _TAIL)], ntb
            )
            pltpu.sync_copy(
                d_hbm.at[pl.ds(jh * _HJ, _HJ), pl.ds(t0, _TAIL)], dtb
            )
            tss = lax.fori_loop(jnp.int32(0), jnp.int32(_HJ), tail_jbody, tss)
        keep = jnp.where(wid == jnp.int32(_NW - 1),
                         jnp.float32(1.0), jnp.float32(0.0))
        for g in range(_TAIL // _L):
            qi = qtab[pl.ds(jnp.int32(_TAIL0 + g * _L), _L)]
            acc = acc + tss[g] * qi * keep

        accv[...] = acc
        pltpu.sync_copy(accv, out_hbm.at[wid])

    return sc_energy


def kernel(charges, d_ij_lr, nbmat_lr):
    nb_t = nbmat_lr.astype(jnp.uint32).reshape(_N, _M).T
    d_t = d_ij_lr.reshape(_N, _M).T
    parts = _build_sc_call()(charges, nb_t, d_t)
    e = _FACTOR * jnp.sum(parts.astype(jnp.float64))
    return e.reshape(1)

# --- scband reference (transcript-rebuilt; emitter-appended) ---
"""Pipeline reference for scband-lrcoulomb-18580028522574 (READ-ONLY COPY).

The authoritative reference and input builder live on the scoring server;
editing this copy changes nothing except your own understanding.
"""

import jax, jax.numpy as jnp
import numpy as np
jax.config.update("jax_enable_x64", True)

# constants.half_Hartree * constants.Bohr (eV * Angstrom)
FACTOR = 13.605693122994 * 0.5291772105638411


def setup_inputs(seed: int = 0) -> dict:
    key = jax.random.key(seed)
    k1, k2, k3 = jax.random.split(key, 3)
    B, N, M = 1, 100000, 64
    # per-atom partial charges
    charges = jax.random.normal(k1, (B, N), dtype=jnp.float32) * 0.3
    # precomputed LR pair distances, kept away from 0 to avoid 1/d blowup
    d_ij_lr = jax.random.uniform(k2, (B, N, M), dtype=jnp.float32) * 9.0 + 1.0
    # LR neighbor matrix: for atom i, indices of its M neighbors (all valid, no padding)
    nbmat_lr = jax.random.randint(k3, (B, N, M), 0, N, dtype=jnp.int64)
    return {"charges": charges, "d_ij_lr": d_ij_lr, "nbmat_lr": nbmat_lr}


def reference(charges, d_ij_lr, nbmat_lr):
    # LRCoulomb.forward with method='simple', subtract_sr=False.
    # nbops.get_ij: q_i = q[..., :, None]; q_j = gather of q along atom dim via nbmat.
    q_i = charges[:, :, None]                                   # [B, N, 1]
    q_j = jax.vmap(lambda q, nb: jnp.take(q, nb, axis=0))(charges, nbmat_lr)  # [B, N, M]
    q_ij = q_i * q_j
    e_ij = q_ij / d_ij_lr                                       # [B, N, M]
    # nbops.mask_ij_: all neighbor slots are valid here (no padding), so identity.
    # sum over neighbors with float64 accumulation (torch sum(dtype=float64))
    e_i = jnp.sum(e_ij.astype(jnp.float64), axis=-1)            # [B, N]
    # nbops.mol_sum: sum over atoms per molecule
    e = FACTOR * jnp.sum(e_i, axis=-1)                          # [B]
    return e

if __name__ == "__main__":
    import jax
    _d = setup_inputs()
    print(jax.jit(kernel)(*tuple(_d.values())))

</pallas_src>

<mosaic_0001>
#map = affine_map<(d0, d1) -> (0, 0)>
module attributes {stable_mosaic.version = 14 : i64} {
  func.func @sc_energy(%arg0: i32, %arg1: i32, %arg2: memref<1x100000xf32, #tpu.memory_space<hbm>>, %arg3: memref<64x100000xi32, #tpu.memory_space<hbm>>, %arg4: memref<64x100000xf32, #tpu.memory_space<hbm>>, %arg5: memref<32x16xf32, #tpu.memory_space<hbm>>, %arg6: memref<100000xf32, #tpu.memory_space<vmem>>, %arg7: memref<32x128xi32, #tpu.memory_space<vmem>>, %arg8: memref<32x128xi32, #tpu.memory_space<vmem>>, %arg9: memref<32x128xf32, #tpu.memory_space<vmem>>, %arg10: memref<32x128xf32, #tpu.memory_space<vmem>>, %arg11: memref<32x32xi32, #tpu.memory_space<vmem>>, %arg12: memref<32x32xf32, #tpu.memory_space<vmem>>, %arg13: memref<16xf32, #tpu.memory_space<vmem>>, %arg14: memref<!tpu.dma_semaphore, #tpu.memory_space<semaphore_mem>>, %arg15: memref<!tpu.dma_semaphore, #tpu.memory_space<semaphore_mem>>, %arg16: memref<!tpu.dma_semaphore, #tpu.memory_space<semaphore_mem>>) attributes {dimension_semantics = [#tpu.dimension_semantics<core_parallel>, #tpu.dimension_semantics<subcore_parallel>], iteration_bounds = array<i64: 2, 16>, scalar_prefetch = 0 : i64, scratch_operands = 11 : i64, tpu.core_type = #tpu.core_type<sc_vector_subcore>, window_params = [{transform_indices = #map}, {transform_indices = #map}, {transform_indices = #map}, {transform_indices = #map}]} {
    %mul3A = arith.constant 2 : i32
    %mul3A_0 = arith.muli %arg1, %mul3A : i32
    %add3A = arith.addi %mul3A_0, %arg0 : i32
    %mul3A_1 = arith.constant 3200 : i32
    %mul3A_2 = arith.muli %add3A, %mul3A_1 : i32
    %eq3A = arith.constant 31 : i32
    %eq3A_3 = arith.cmpi eq, %add3A, %eq3A : i32
    %jit3A = arith.constant 6 : i32
    %jit3A_4 = arith.constant 25 : i32
    %select_n3A = arith.select %eq3A_3, %jit3A, %jit3A_4 : i32
    %dma_start3A = arith.constant 0 : i32
    %dma_start3A_5 = arith.constant 0 : i32
    %dma_start3A_6 = tpu.memref_slice %arg2[%dma_start3A, %dma_start3A_5] : memref<1x100000xf32, #tpu.memory_space<hbm>> -> memref<1x100000xf32, #tpu.memory_space<hbm>>
    %dma_start3A_7 = tpu.memref_squeeze %dma_start3A_6 : memref<1x100000xf32, #tpu.memory_space<hbm>> -> memref<100000xf32, #tpu.memory_space<hbm>>
    %dma_start3A_8 = arith.constant 0 : i32
    %dma_start3A_9 = tpu.memref_slice %arg2[%dma_start3A, %dma_start3A_8] : memref<1x100000xf32, #tpu.memory_space<hbm>> -> memref<1x100000xf32, #tpu.memory_space<hbm>>
    %dma_start3A_10 = tpu.memref_squeeze %dma_start3A_9 : memref<1x100000xf32, #tpu.memory_space<hbm>> -> memref<100000xf32, #tpu.memory_space<hbm>>
    tpu.enqueue_dma source(%dma_start3A_10 : memref<100000xf32, #tpu.memory_space<hbm>>) target(%arg6 : memref<100000xf32, #tpu.memory_space<vmem>>) target_semaphore(%arg16 : memref<!tpu.dma_semaphore, #tpu.memory_space<semaphore_mem>>)
    %sub3A = arith.constant 1 : i32
    %sub3A_11 = arith.subi %select_n3A, %sub3A : i32
    %min3A = arith.constant 0 : i32
    %min3A_12 = arith.minsi %min3A, %sub3A_11 : i32
    %mul3A_13 = arith.constant 128 : i32
    %mul3A_14 = arith.muli %min3A_12, %mul3A_13 : i32
    %add3A_15 = arith.addi %mul3A_2, %mul3A_14 : i32
    %dma_start3A_16 = arith.constant 0 : i32
    %dma_start3A_17 = tpu.memref_slice %arg3[%dma_start3A_16, %add3A_15] : memref<64x100000xi32, #tpu.memory_space<hbm>> -> memref<32x128xi32, #tpu.memory_space<hbm>>
    %dma_start3A_18 = arith.constant 0 : i32
    %dma_start3A_19 = tpu.memref_slice %arg3[%dma_start3A_18, %add3A_15] : memref<64x100000xi32, #tpu.memory_space<hbm>> -> memref<32x128xi32, #tpu.memory_space<hbm>>
    tpu.enqueue_dma source(%dma_start3A_19 : memref<32x128xi32, #tpu.memory_space<hbm>>) target(%arg7 : memref<32x128xi32, #tpu.memory_space<vmem>>) target_semaphore(%arg14 : memref<!tpu.dma_semaphore, #tpu.memory_space<semaphore_mem>>)
    %dma_start3A_20 = arith.constant 0 : i32
    %dma_start3A_21 = tpu.memref_slice %arg4[%dma_start3A_20, %add3A_15] : memref<64x100000xf32, #tpu.memory_space<hbm>> -> memref<32x128xf32, #tpu.memory_space<hbm>>
    %dma_start3A_22 = arith.constant 0 : i32
    %dma_start3A_23 = tpu.memref_slice %arg4[%dma_start3A_22, %add3A_15] : memref<64x100000xf32, #tpu.memory_space<hbm>> -> memref<32x128xf32, #tpu.memory_space<hbm>>
    tpu.enqueue_dma source(%dma_start3A_23 : memref<32x128xf32, #tpu.memory_space<hbm>>) target(%arg9 : memref<32x128xf32, #tpu.memory_space<vmem>>) target_semaphore(%arg14 : memref<!tpu.dma_semaphore, #tpu.memory_space<semaphore_mem>>)
    %dma_wait3A = arith.constant 0 : i32
    %dma_wait3A_24 = arith.constant 0 : i32
    %dma_wait3A_25 = tpu.memref_slice %arg2[%dma_wait3A, %dma_wait3A_24] : memref<1x100000xf32, #tpu.memory_space<hbm>> -> memref<1x100000xf32, #tpu.memory_space<hbm>>
    %dma_wait3A_26 = tpu.memref_squeeze %dma_wait3A_25 : memref<1x100000xf32, #tpu.memory_space<hbm>> -> memref<100000xf32, #tpu.memory_space<hbm>>
    %dma_wait3A_27 = arith.constant 0 : i32
    %dma_wait3A_28 = tpu.memref_slice %arg2[%dma_wait3A, %dma_wait3A_27] : memref<1x100000xf32, #tpu.memory_space<hbm>> -> memref<1x100000xf32, #tpu.memory_space<hbm>>
    %dma_wait3A_29 = tpu.memref_squeeze %dma_wait3A_28 : memref<1x100000xf32, #tpu.memory_space<hbm>> -> memref<100000xf32, #tpu.memory_space<hbm>>
    tpu.wait_dma2 semaphore(%arg16 : memref<!tpu.dma_semaphore, #tpu.memory_space<semaphore_mem>>) src(%dma_wait3A_29 : memref<100000xf32, #tpu.memory_space<hbm>>) dst(%arg6 : memref<100000xf32, #tpu.memory_space<vmem>>)
    %broadcast_in_dim3A = arith.constant 0.000000e+00 : f32
    %broadcast_in_dim3A_30 = vector.broadcast %broadcast_in_dim3A : f32 to vector<16xf32>
    %while3A = arith.constant 0 : i32
    %while3A_31 = arith.subi %select_n3A, %while3A : i32
    %while3A_32 = arith.addi %while3A, %while3A_31 : i32
    %while3A_33 = arith.constant 1 : i32
    %while3A_34 = arith.divsi %while3A_31, %while3A_33 : i32
    %while3A_35 = arith.muli %while3A_34, %while3A_33 : i32
    %while3A_36 = arith.addi %while3A, %while3A_35 : i32
    %while3A_37 = arith.constant 1 : i32
    %while3A_38 = scf.for %while3A_107 = %while3A to %while3A_36 step %while3A_37 iter_args(%while3A_108 = %broadcast_in_dim3A_30) -> (vector<16xf32>)  : i32 {
      %sub3A_109 = arith.constant 1 : i32
      %sub3A_110 = arith.subi %select_n3A, %sub3A_109 : i32
      %min3A_111 = arith.minsi %while3A_107, %sub3A_110 : i32
      %mul3A_112 = arith.constant 128 : i32
      %mul3A_113 = arith.muli %min3A_111, %mul3A_112 : i32
      %add3A_114 = arith.addi %mul3A_2, %mul3A_113 : i32
      %dma_start3A_115 = arith.constant 32 : i32
      %dma_start3A_116 = tpu.memref_slice %arg3[%dma_start3A_115, %add3A_114] : memref<64x100000xi32, #tpu.memory_space<hbm>> -> memref<32x128xi32, #tpu.memory_space<hbm>>
      %dma_start3A_117 = arith.constant 32 : i32
      %dma_start3A_118 = tpu.memref_slice %arg3[%dma_start3A_117, %add3A_114] : memref<64x100000xi32, #tpu.memory_space<hbm>> -> memref<32x128xi32, #tpu.memory_space<hbm>>
      tpu.enqueue_dma source(%dma_start3A_118 : memref<32x128xi32, #tpu.memory_space<hbm>>) target(%arg8 : memref<32x128xi32, #tpu.memory_space<vmem>>) target_semaphore(%arg15 : memref<!tpu.dma_semaphore, #tpu.memory_space<semaphore_mem>>)
      %dma_start3A_119 = arith.constant 32 : i32
      %dma_start3A_120 = tpu.memref_slice %arg4[%dma_start3A_119, %add3A_114] : memref<64x100000xf32, #tpu.memory_space<hbm>> -> memref<32x128xf32, #tpu.memory_space<hbm>>
      %dma_start3A_121 = arith.constant 32 : i32
      %dma_start3A_122 = tpu.memref_slice %arg4[%dma_start3A_121, %add3A_114] : memref<64x100000xf32, #tpu.memory_space<hbm>> -> memref<32x128xf32, #tpu.memory_space<hbm>>
      tpu.enqueue_dma source(%dma_start3A_122 : memref<32x128xf32, #tpu.memory_space<hbm>>) target(%arg10 : memref<32x128xf32, #tpu.memory_space<vmem>>) target_semaphore(%arg15 : memref<!tpu.dma_semaphore, #tpu.memory_space<semaphore_mem>>)
      %sub3A_123 = arith.constant 1 : i32
      %sub3A_124 = arith.subi %select_n3A, %sub3A_123 : i32
      %min3A_125 = arith.minsi %while3A_107, %sub3A_124 : i32
      %mul3A_126 = arith.constant 128 : i32
      %mul3A_127 = arith.muli %min3A_125, %mul3A_126 : i32
      %add3A_128 = arith.addi %mul3A_2, %mul3A_127 : i32
      %dma_wait3A_129 = arith.constant 0 : i32
      %dma_wait3A_130 = tpu.memref_slice %arg3[%dma_wait3A_129, %add3A_128] : memref<64x100000xi32, #tpu.memory_space<hbm>> -> memref<32x128xi32, #tpu.memory_space<hbm>>
      %dma_wait3A_131 = arith.constant 0 : i32
      %dma_wait3A_132 = tpu.memref_slice %arg3[%dma_wait3A_131, %add3A_128] : memref<64x100000xi32, #tpu.memory_space<hbm>> -> memref<32x128xi32, #tpu.memory_space<hbm>>
      tpu.wait_dma2 semaphore(%arg14 : memref<!tpu.dma_semaphore, #tpu.memory_space<semaphore_mem>>) src(%dma_wait3A_132 : memref<32x128xi32, #tpu.memory_space<hbm>>) dst(%arg7 : memref<32x128xi32, #tpu.memory_space<vmem>>)
      %dma_wait3A_133 = arith.constant 0 : i32
      %dma_wait3A_134 = tpu.memref_slice %arg4[%dma_wait3A_133, %add3A_128] : memref<64x100000xf32, #tpu.memory_space<hbm>> -> memref<32x128xf32, #tpu.memory_space<hbm>>
      %dma_wait3A_135 = arith.constant 0 : i32
      %dma_wait3A_136 = tpu.memref_slice %arg4[%dma_wait3A_135, %add3A_128] : memref<64x100000xf32, #tpu.memory_space<hbm>> -> memref<32x128xf32, #tpu.memory_space<hbm>>
      tpu.wait_dma2 semaphore(%arg14 : memref<!tpu.dma_semaphore, #tpu.memory_space<semaphore_mem>>) src(%dma_wait3A_136 : memref<32x128xf32, #tpu.memory_space<hbm>>) dst(%arg9 : memref<32x128xf32, #tpu.memory_space<vmem>>)
      %mul3A_137 = arith.constant 128 : i32
      %mul3A_138 = arith.muli %while3A_107, %mul3A_137 : i32
      %add3A_139 = arith.addi %mul3A_2, %mul3A_138 : i32
      %broadcast_in_dim3A_140 = arith.constant 0.000000e+00 : f32
      %broadcast_in_dim3A_141 = vector.broadcast %broadcast_in_dim3A_140 : f32 to vector<16xf32>
      %broadcast_in_dim3A_142 = arith.constant 0.000000e+00 : f32
      %broadcast_in_dim3A_143 = vector.broadcast %broadcast_in_dim3A_142 : f32 to vector<16xf32>
      %broadcast_in_dim3A_144 = arith.constant 0.000000e+00 : f32
      %broadcast_in_dim3A_145 = vector.broadcast %broadcast_in_dim3A_144 : f32 to vector<16xf32>
      %broadcast_in_dim3A_146 = arith.constant 0.000000e+00 : f32
      %broadcast_in_dim3A_147 = vector.broadcast %broadcast_in_dim3A_146 : f32 to vector<16xf32>
      %broadcast_in_dim3A_148 = arith.constant 0.000000e+00 : f32
      %broadcast_in_dim3A_149 = vector.broadcast %broadcast_in_dim3A_148 : f32 to vector<16xf32>
      %broadcast_in_dim3A_150 = arith.constant 0.000000e+00 : f32
      %broadcast_in_dim3A_151 = vector.broadcast %broadcast_in_dim3A_150 : f32 to vector<16xf32>
      %broadcast_in_dim3A_152 = arith.constant 0.000000e+00 : f32
      %broadcast_in_dim3A_153 = vector.broadcast %broadcast_in_dim3A_152 : f32 to vector<16xf32>
      %broadcast_in_dim3A_154 = arith.constant 0.000000e+00 : f32
      %broadcast_in_dim3A_155 = vector.broadcast %broadcast_in_dim3A_154 : f32 to vector<16xf32>
      %while3A_156 = arith.constant 0 : i32
      %while3A_157 = arith.constant 32 : i32
      %while3A_158 = arith.subi %while3A_157, %while3A_156 : i32
      %while3A_159 = arith.addi %while3A_156, %while3A_158 : i32
      %while3A_160 = arith.constant 1 : i32
      %while3A_161 = arith.divsi %while3A_158, %while3A_160 : i32
      %while3A_162 = arith.muli %while3A_161, %while3A_160 : i32
      %while3A_163 = arith.addi %while3A_156, %while3A_162 : i32
      %while3A_164 = arith.constant 1 : i32
      %while3A_165:8 = scf.for %while3A_325 = %while3A_156 to %while3A_163 step %while3A_164 iter_args(%while3A_326 = %broadcast_in_dim3A_141, %while3A_327 = %broadcast_in_dim3A_143, %while3A_328 = %broadcast_in_dim3A_145, %while3A_329 = %broadcast_in_dim3A_147, %while3A_330 = %broadcast_in_dim3A_149, %while3A_331 = %broadcast_in_dim3A_151, %while3A_332 = %broadcast_in_dim3A_153, %while3A_333 = %broadcast_in_dim3A_155) -> (vector<16xf32>, vector<16xf32>, vector<16xf32>, vector<16xf32>, vector<16xf32>, vector<16xf32>, vector<16xf32>, vector<16xf32>)  : i32 {
        %get3A_334 = arith.index_cast %while3A_325 : i32 to index
        %get3A_335 = arith.constant 0 : index
        %get3A_336 = tpu.vector_load %arg7[%get3A_334, %get3A_335] {strides = array<i32>} : memref<32x128xi32, #tpu.memory_space<vmem>>, vector<16xi32>,
        %bitcast3A = vector.bitcast %get3A_336 : vector<16xi32> to vector<16xi32>
        %get3A_337 = arith.index_cast %while3A_325 : i32 to index
        %get3A_338 = arith.constant 0 : index
        %get3A_339 = tpu.vector_load %arg9[%get3A_337, %get3A_338] {strides = array<i32>} : memref<32x128xf32, #tpu.memory_space<vmem>>, vector<16xf32>,
        %gather3A = tpu.vector_load_idx %arg6[%bitcast3A] : memref<100000xf32, #tpu.memory_space<vmem>>[vector<16xi32>], vector<16xf32>,
        %div3A = arith.divf %gather3A, %get3A_339 : vector<16xf32>
        %add3A_340 = arith.addf %while3A_326, %div3A : vector<16xf32>
        %get3A_341 = arith.index_cast %while3A_325 : i32 to index
        %get3A_342 = arith.constant 16 : index
        %get3A_343 = tpu.vector_load %arg7[%get3A_341, %get3A_342] {strides = array<i32>} : memref<32x128xi32, #tpu.memory_space<vmem>>, vector<16xi32>,
        %bitcast3A_344 = vector.bitcast %get3A_343 : vector<16xi32> to vector<16xi32>
        %get3A_345 = arith.index_cast %while3A_325 : i32 to index
        %get3A_346 = arith.constant 16 : index
        %get3A_347 = tpu.vector_load %arg9[%get3A_345, %get3A_346] {strides = array<i32>} : memref<32x128xf32, #tpu.memory_space<vmem>>, vector<16xf32>,
        %gather3A_348 = tpu.vector_load_idx %arg6[%bitcast3A_344] : memref<100000xf32, #tpu.memory_space<vmem>>[vector<16xi32>], vector<16xf32>,
        %div3A_349 = arith.divf %gather3A_348, %get3A_347 : vector<16xf32>
        %add3A_350 = arith.addf %while3A_327, %div3A_349 : vector<16xf32>
        %get3A_351 = arith.index_cast %while3A_325 : i32 to index
        %get3A_352 = arith.constant 32 : index
        %get3A_353 = tpu.vector_load %arg7[%get3A_351, %get3A_352] {strides = array<i32>} : memref<32x128xi32, #tpu.memory_space<vmem>>, vector<16xi32>,
        %bitcast3A_354 = vector.bitcast %get3A_353 : vector<16xi32> to vector<16xi32>
        %get3A_355 = arith.index_cast %while3A_325 : i32 to index
        %get3A_356 = arith.constant 32 : index
        %get3A_357 = tpu.vector_load %arg9[%get3A_355, %get3A_356] {strides = array<i32>} : memref<32x128xf32, #tpu.memory_space<vmem>>, vector<16xf32>,
        %gather3A_358 = tpu.vector_load_idx %arg6[%bitcast3A_354] : memref<100000xf32, #tpu.memory_space<vmem>>[vector<16xi32>], vector<16xf32>,
        %div3A_359 = arith.divf %gather3A_358, %get3A_357 : vector<16xf32>
        %add3A_360 = arith.addf %while3A_328, %div3A_359 : vector<16xf32>
        %get3A_361 = arith.index_cast %while3A_325 : i32 to index
        %get3A_362 = arith.constant 48 : index
        %get3A_363 = tpu.vector_load %arg7[%get3A_361, %get3A_362] {strides = array<i32>} : memref<32x128xi32, #tpu.memory_space<vmem>>, vector<16xi32>,
        %bitcast3A_364 = vector.bitcast %get3A_363 : vector<16xi32> to vector<16xi32>
        %get3A_365 = arith.index_cast %while3A_325 : i32 to index
        %get3A_366 = arith.constant 48 : index
        %get3A_367 = tpu.vector_load %arg9[%get3A_365, %get3A_366] {strides = array<i32>} : memref<32x128xf32, #tpu.memory_space<vmem>>, vector<16xf32>,
        %gather3A_368 = tpu.vector_load_idx %arg6[%bitcast3A_364] : memref<100000xf32, #tpu.memory_space<vmem>>[vector<16xi32>], vector<16xf32>,
        %div3A_369 = arith.divf %gather3A_368, %get3A_367 : vector<16xf32>
        %add3A_370 = arith.addf %while3A_329, %div3A_369 : vector<16xf32>
        %get3A_371 = arith.index_cast %while3A_325 : i32 to index
        %get3A_372 = arith.constant 64 : index
        %get3A_373 = tpu.vector_load %arg7[%get3A_371, %get3A_372] {strides = array<i32>} : memref<32x128xi32, #tpu.memory_space<vmem>>, vector<16xi32>,
        %bitcast3A_374 = vector.bitcast %get3A_373 : vector<16xi32> to vector<16xi32>
        %get3A_375 = arith.index_cast %while3A_325 : i32 to index
        %get3A_376 = arith.constant 64 : index
        %get3A_377 = tpu.vector_load %arg9[%get3A_375, %get3A_376] {strides = array<i32>} : memref<32x128xf32, #tpu.memory_space<vmem>>, vector<16xf32>,
        %gather3A_378 = tpu.vector_load_idx %arg6[%bitcast3A_374] : memref<100000xf32, #tpu.memory_space<vmem>>[vector<16xi32>], vector<16xf32>,
        %div3A_379 = arith.divf %gather3A_378, %get3A_377 : vector<16xf32>
        %add3A_380 = arith.addf %while3A_330, %div3A_379 : vector<16xf32>
        %get3A_381 = arith.index_cast %while3A_325 : i32 to index
        %get3A_382 = arith.constant 80 : index
        %get3A_383 = tpu.vector_load %arg7[%get3A_381, %get3A_382] {strides = array<i32>} : memref<32x128xi32, #tpu.memory_space<vmem>>, vector<16xi32>,
        %bitcast3A_384 = vector.bitcast %get3A_383 : vector<16xi32> to vector<16xi32>
        %get3A_385 = arith.index_cast %while3A_325 : i32 to index
        %get3A_386 = arith.constant 80 : index
        %get3A_387 = tpu.vector_load %arg9[%get3A_385, %get3A_386] {strides = array<i32>} : memref<32x128xf32, #tpu.memory_space<vmem>>, vector<16xf32>,
        %gather3A_388 = tpu.vector_load_idx %arg6[%bitcast3A_384] : memref<100000xf32, #tpu.memory_space<vmem>>[vector<16xi32>], vector<16xf32>,
        %div3A_389 = arith.divf %gather3A_388, %get3A_387 : vector<16xf32>
        %add3A_390 = arith.addf %while3A_331, %div3A_389 : vector<16xf32>
        %get3A_391 = arith.index_cast %while3A_325 : i32 to index
        %get3A_392 = arith.constant 96 : index
        %get3A_393 = tpu.vector_load %arg7[%get3A_391, %get3A_392] {strides = array<i32>} : memref<32x128xi32, #tpu.memory_space<vmem>>, vector<16xi32>,
        %bitcast3A_394 = vector.bitcast %get3A_393 : vector<16xi32> to vector<16xi32>
        %get3A_395 = arith.index_cast %while3A_325 : i32 to index
        %get3A_396 = arith.constant 96 : index
        %get3A_397 = tpu.vector_load %arg9[%get3A_395, %get3A_396] {strides = array<i32>} : memref<32x128xf32, #tpu.memory_space<vmem>>, vector<16xf32>,
        %gather3A_398 = tpu.vector_load_idx %arg6[%bitcast3A_394] : memref<100000xf32, #tpu.memory_space<vmem>>[vector<16xi32>], vector<16xf32>,
        %div3A_399 = arith.divf %gather3A_398, %get3A_397 : vector<16xf32>
        %add3A_400 = arith.addf %while3A_332, %div3A_399 : vector<16xf32>
        %get3A_401 = arith.index_cast %while3A_325 : i32 to index
        %get3A_402 = arith.constant 112 : index
        %get3A_403 = tpu.vector_load %arg7[%get3A_401, %get3A_402] {strides = array<i32>} : memref<32x128xi32, #tpu.memory_space<vmem>>, vector<16xi32>,
        %bitcast3A_404 = vector.bitcast %get3A_403 : vector<16xi32> to vector<16xi32>
        %get3A_405 = arith.index_cast %while3A_325 : i32 to index
        %get3A_406 = arith.constant 112 : index
        %get3A_407 = tpu.vector_load %arg9[%get3A_405, %get3A_406] {strides = array<i32>} : memref<32x128xf32, #tpu.memory_space<vmem>>, vector<16xf32>,
        %gather3A_408 = tpu.vector_load_idx %arg6[%bitcast3A_404] : memref<100000xf32, #tpu.memory_space<vmem>>[vector<16xi32>], vector<16xf32>,
        %div3A_409 = arith.divf %gather3A_408, %get3A_407 : vector<16xf32>
        %add3A_410 = arith.addf %while3A_333, %div3A_409 : vector<16xf32>
        scf.yield %add3A_340, %add3A_350, %add3A_360, %add3A_370, %add3A_380, %add3A_390, %add3A_400, %add3A_410 : vector<16xf32>, vector<16xf32>, vector<16xf32>, vector<16xf32>, vector<16xf32>, vector<16xf32>, vector<16xf32>, vector<16xf32>
      }
      %while3A_166 = arith.constant 1 : i32
      %while3A_167:8 = scf.for %while3A_325 = %while3A_163 to %while3A_159 step %while3A_166 iter_args(%while3A_326 = %while3A_165#0, %while3A_327 = %while3A_165#1, %while3A_328 = %while3A_165#2, %while3A_329 = %while3A_165#3, %while3A_330 = %while3A_165#4, %while3A_331 = %while3A_165#5, %while3A_332 = %while3A_165#6, %while3A_333 = %while3A_165#7) -> (vector<16xf32>, vector<16xf32>, vector<16xf32>, vector<16xf32>, vector<16xf32>, vector<16xf32>, vector<16xf32>, vector<16xf32>)  : i32 {
        %get3A_334 = arith.index_cast %while3A_325 : i32 to index
        %get3A_335 = arith.constant 0 : index
        %get3A_336 = tpu.vector_load %arg7[%get3A_334, %get3A_335] {strides = array<i32>} : memref<32x128xi32, #tpu.memory_space<vmem>>, vector<16xi32>,
        %bitcast3A = vector.bitcast %get3A_336 : vector<16xi32> to vector<16xi32>
        %get3A_337 = arith.index_cast %while3A_325 : i32 to index
        %get3A_338 = arith.constant 0 : index
        %get3A_339 = tpu.vector_load %arg9[%get3A_337, %get3A_338] {strides = array<i32>} : memref<32x128xf32, #tpu.memory_space<vmem>>, vector<16xf32>,
        %gather3A = tpu.vector_load_idx %arg6[%bitcast3A] : memref<100000xf32, #tpu.memory_space<vmem>>[vector<16xi32>], vector<16xf32>,
        %div3A = arith.divf %gather3A, %get3A_339 : vector<16xf32>
        %add3A_340 = arith.addf %while3A_326, %div3A : vector<16xf32>
        %get3A_341 = arith.index_cast %while3A_325 : i32 to index
        %get3A_342 = arith.constant 16 : index
        %get3A_343 = tpu.vector_load %arg7[%get3A_341, %get3A_342] {strides = array<i32>} : memref<32x128xi32, #tpu.memory_space<vmem>>, vector<16xi32>,
        %bitcast3A_344 = vector.bitcast %get3A_343 : vector<16xi32> to vector<16xi32>
        %get3A_345 = arith.index_cast %while3A_325 : i32 to index
        %get3A_346 = arith.constant 16 : index
        %get3A_347 = tpu.vector_load %arg9[%get3A_345, %get3A_346] {strides = array<i32>} : memref<32x128xf32, #tpu.memory_space<vmem>>, vector<16xf32>,
        %gather3A_348 = tpu.vector_load_idx %arg6[%bitcast3A_344] : memref<100000xf32, #tpu.memory_space<vmem>>[vector<16xi32>], vector<16xf32>,
        %div3A_349 = arith.divf %gather3A_348, %get3A_347 : vector<16xf32>
        %add3A_350 = arith.addf %while3A_327, %div3A_349 : vector<16xf32>
        %get3A_351 = arith.index_cast %while3A_325 : i32 to index
        %get3A_352 = arith.constant 32 : index
        %get3A_353 = tpu.vector_load %arg7[%get3A_351, %get3A_352] {strides = array<i32>} : memref<32x128xi32, #tpu.memory_space<vmem>>, vector<16xi32>,
        %bitcast3A_354 = vector.bitcast %get3A_353 : vector<16xi32> to vector<16xi32>
        %get3A_355 = arith.index_cast %while3A_325 : i32 to index
        %get3A_356 = arith.constant 32 : index
        %get3A_357 = tpu.vector_load %arg9[%get3A_355, %get3A_356] {strides = array<i32>} : memref<32x128xf32, #tpu.memory_space<vmem>>, vector<16xf32>,
        %gather3A_358 = tpu.vector_load_idx %arg6[%bitcast3A_354] : memref<100000xf32, #tpu.memory_space<vmem>>[vector<16xi32>], vector<16xf32>,
        %div3A_359 = arith.divf %gather3A_358, %get3A_357 : vector<16xf32>
        %add3A_360 = arith.addf %while3A_328, %div3A_359 : vector<16xf32>
        %get3A_361 = arith.index_cast %while3A_325 : i32 to index
        %get3A_362 = arith.constant 48 : index
        %get3A_363 = tpu.vector_load %arg7[%get3A_361, %get3A_362] {strides = array<i32>} : memref<32x128xi32, #tpu.memory_space<vmem>>, vector<16xi32>,
        %bitcast3A_364 = vector.bitcast %get3A_363 : vector<16xi32> to vector<16xi32>
        %get3A_365 = arith.index_cast %while3A_325 : i32 to index
        %get3A_366 = arith.constant 48 : index
        %get3A_367 = tpu.vector_load %arg9[%get3A_365, %get3A_366] {strides = array<i32>} : memref<32x128xf32, #tpu.memory_space<vmem>>, vector<16xf32>,
        %gather3A_368 = tpu.vector_load_idx %arg6[%bitcast3A_364] : memref<100000xf32, #tpu.memory_space<vmem>>[vector<16xi32>], vector<16xf32>,
        %div3A_369 = arith.divf %gather3A_368, %get3A_367 : vector<16xf32>
        %add3A_370 = arith.addf %while3A_329, %div3A_369 : vector<16xf32>
        %get3A_371 = arith.index_cast %while3A_325 : i32 to index
        %get3A_372 = arith.constant 64 : index
        %get3A_373 = tpu.vector_load %arg7[%get3A_371, %get3A_372] {strides = array<i32>} : memref<32x128xi32, #tpu.memory_space<vmem>>, vector<16xi32>,
        %bitcast3A_374 = vector.bitcast %get3A_373 : vector<16xi32> to vector<16xi32>
        %get3A_375 = arith.index_cast %while3A_325 : i32 to index
        %get3A_376 = arith.constant 64 : index
        %get3A_377 = tpu.vector_load %arg9[%get3A_375, %get3A_376] {strides = array<i32>} : memref<32x128xf32, #tpu.memory_space<vmem>>, vector<16xf32>,
        %gather3A_378 = tpu.vector_load_idx %arg6[%bitcast3A_374] : memref<100000xf32, #tpu.memory_space<vmem>>[vector<16xi32>], vector<16xf32>,
        %div3A_379 = arith.divf %gather3A_378, %get3A_377 : vector<16xf32>
        %add3A_380 = arith.addf %while3A_330, %div3A_379 : vector<16xf32>
        %get3A_381 = arith.index_cast %while3A_325 : i32 to index
        %get3A_382 = arith.constant 80 : index
        %get3A_383 = tpu.vector_load %arg7[%get3A_381, %get3A_382] {strides = array<i32>} : memref<32x128xi32, #tpu.memory_space<vmem>>, vector<16xi32>,
        %bitcast3A_384 = vector.bitcast %get3A_383 : vector<16xi32> to vector<16xi32>
        %get3A_385 = arith.index_cast %while3A_325 : i32 to index
        %get3A_386 = arith.constant 80 : index
        %get3A_387 = tpu.vector_load %arg9[%get3A_385, %get3A_386] {strides = array<i32>} : memref<32x128xf32, #tpu.memory_space<vmem>>, vector<16xf32>,
        %gather3A_388 = tpu.vector_load_idx %arg6[%bitcast3A_384] : memref<100000xf32, #tpu.memory_space<vmem>>[vector<16xi32>], vector<16xf32>,
        %div3A_389 = arith.divf %gather3A_388, %get3A_387 : vector<16xf32>
        %add3A_390 = arith.addf %while3A_331, %div3A_389 : vector<16xf32>
        %get3A_391 = arith.index_cast %while3A_325 : i32 to index
        %get3A_392 = arith.constant 96 : index
        %get3A_393 = tpu.vector_load %arg7[%get3A_391, %get3A_392] {strides = array<i32>} : memref<32x128xi32, #tpu.memory_space<vmem>>, vector<16xi32>,
        %bitcast3A_394 = vector.bitcast %get3A_393 : vector<16xi32> to vector<16xi32>
        %get3A_395 = arith.index_cast %while3A_325 : i32 to index
        %get3A_396 = arith.constant 96 : index
        %get3A_397 = tpu.vector_load %arg9[%get3A_395, %get3A_396] {strides = array<i32>} : memref<32x128xf32, #tpu.memory_space<vmem>>, vector<16xf32>,
        %gather3A_398 = tpu.vector_load_idx %arg6[%bitcast3A_394] : memref<100000xf32, #tpu.memory_space<vmem>>[vector<16xi32>], vector<16xf32>,
        %div3A_399 = arith.divf %gather3A_398, %get3A_397 : vector<16xf32>
        %add3A_400 = arith.addf %while3A_332, %div3A_399 : vector<16xf32>
        %get3A_401 = arith.index_cast %while3A_325 : i32 to index
        %get3A_402 = arith.constant 112 : index
        %get3A_403 = tpu.vector_load %arg7[%get3A_401, %get3A_402] {strides = array<i32>} : memref<32x128xi32, #tpu.memory_space<vmem>>, vector<16xi32>,
        %bitcast3A_404 = vector.bitcast %get3A_403 : vector<16xi32> to vector<16xi32>
        %get3A_405 = arith.index_cast %while3A_325 : i32 to index
        %get3A_406 = arith.constant 112 : index
        %get3A_407 = tpu.vector_load %arg9[%get3A_405, %get3A_406] {strides = array<i32>} : memref<32x128xf32, #tpu.memory_space<vmem>>, vector<16xf32>,
        %gather3A_408 = tpu.vector_load_idx %arg6[%bitcast3A_404] : memref<100000xf32, #tpu.memory_space<vmem>>[vector<16xi32>], vector<16xf32>,
        %div3A_409 = arith.divf %gather3A_408, %get3A_407 : vector<16xf32>
        %add3A_410 = arith.addf %while3A_333, %div3A_409 : vector<16xf32>
        scf.yield %add3A_340, %add3A_350, %add3A_360, %add3A_370, %add3A_380, %add3A_390, %add3A_400, %add3A_410 : vector<16xf32>, vector<16xf32>, vector<16xf32>, vector<16xf32>, vector<16xf32>, vector<16xf32>, vector<16xf32>, vector<16xf32>
      }
      %add3A_168 = arith.constant 0 : i32
      %add3A_169 = arith.addi %add3A_139, %add3A_168 : i32
      %get3A_170 = arith.index_cast %add3A_169 : i32 to index
      %get3A_171 = tpu.vector_load %arg6[%get3A_170] {strides = array<i32>} : memref<100000xf32, #tpu.memory_space<vmem>>, vector<16xf32>,
      %mul3A_172 = arith.mulf %while3A_167#0, %get3A_171 : vector<16xf32>
      %add3A_173 = arith.addf %while3A_108, %mul3A_172 : vector<16xf32>
      %add3A_174 = arith.constant 16 : i32
      %add3A_175 = arith.addi %add3A_139, %add3A_174 : i32
      %get3A_176 = arith.index_cast %add3A_175 : i32 to index
      %get3A_177 = tpu.vector_load %arg6[%get3A_176] {strides = array<i32>} : memref<100000xf32, #tpu.memory_space<vmem>>, vector<16xf32>,
      %mul3A_178 = arith.mulf %while3A_167#1, %get3A_177 : vector<16xf32>
      %add3A_179 = arith.addf %add3A_173, %mul3A_178 : vector<16xf32>
      %add3A_180 = arith.constant 32 : i32
      %add3A_181 = arith.addi %add3A_139, %add3A_180 : i32
      %get3A_182 = arith.index_cast %add3A_181 : i32 to index
      %get3A_183 = tpu.vector_load %arg6[%get3A_182] {strides = array<i32>} : memref<100000xf32, #tpu.memory_space<vmem>>, vector<16xf32>,
      %mul3A_184 = arith.mulf %while3A_167#2, %get3A_183 : vector<16xf32>
      %add3A_185 = arith.addf %add3A_179, %mul3A_184 : vector<16xf32>
      %add3A_186 = arith.constant 48 : i32
      %add3A_187 = arith.addi %add3A_139, %add3A_186 : i32
      %get3A_188 = arith.index_cast %add3A_187 : i32 to index
      %get3A_189 = tpu.vector_load %arg6[%get3A_188] {strides = array<i32>} : memref<100000xf32, #tpu.memory_space<vmem>>, vector<16xf32>,
      %mul3A_190 = arith.mulf %while3A_167#3, %get3A_189 : vector<16xf32>
      %add3A_191 = arith.addf %add3A_185, %mul3A_190 : vector<16xf32>
      %add3A_192 = arith.constant 64 : i32
      %add3A_193 = arith.addi %add3A_139, %add3A_192 : i32
      %get3A_194 = arith.index_cast %add3A_193 : i32 to index
      %get3A_195 = tpu.vector_load %arg6[%get3A_194] {strides = array<i32>} : memref<100000xf32, #tpu.memory_space<vmem>>, vector<16xf32>,
      %mul3A_196 = arith.mulf %while3A_167#4, %get3A_195 : vector<16xf32>
      %add3A_197 = arith.addf %add3A_191, %mul3A_196 : vector<16xf32>
      %add3A_198 = arith.constant 80 : i32
      %add3A_199 = arith.addi %add3A_139, %add3A_198 : i32
      %get3A_200 = arith.index_cast %add3A_199 : i32 to index
      %get3A_201 = tpu.vector_load %arg6[%get3A_200] {strides = array<i32>} : memref<100000xf32, #tpu.memory_space<vmem>>, vector<16xf32>,
      %mul3A_202 = arith.mulf %while3A_167#5, %get3A_201 : vector<16xf32>
      %add3A_203 = arith.addf %add3A_197, %mul3A_202 : vector<16xf32>
      %add3A_204 = arith.constant 96 : i32
      %add3A_205 = arith.addi %add3A_139, %add3A_204 : i32
      %get3A_206 = arith.index_cast %add3A_205 : i32 to index
      %get3A_207 = tpu.vector_load %arg6[%get3A_206] {strides = array<i32>} : memref<100000xf32, #tpu.memory_space<vmem>>, vector<16xf32>,
      %mul3A_208 = arith.mulf %while3A_167#6, %get3A_207 : vector<16xf32>
      %add3A_209 = arith.addf %add3A_203, %mul3A_208 : vector<16xf32>
      %add3A_210 = arith.constant 112 : i32
      %add3A_211 = arith.addi %add3A_139, %add3A_210 : i32
      %get3A_212 = arith.index_cast %add3A_211 : i32 to index
      %get3A_213 = tpu.vector_load %arg6[%get3A_212] {strides = array<i32>} : memref<100000xf32, #tpu.memory_space<vmem>>, vector<16xf32>,
      %mul3A_214 = arith.mulf %while3A_167#7, %get3A_213 : vector<16xf32>
      %add3A_215 = arith.addf %add3A_209, %mul3A_214 : vector<16xf32>
      %add3A_216 = arith.constant 1 : i32
      %add3A_217 = arith.addi %while3A_107, %add3A_216 : i32
      %sub3A_218 = arith.constant 1 : i32
      %sub3A_219 = arith.subi %select_n3A, %sub3A_218 : i32
      %min3A_220 = arith.minsi %add3A_217, %sub3A_219 : i32
      %mul3A_221 = arith.constant 128 : i32
      %mul3A_222 = arith.muli %min3A_220, %mul3A_221 : i32
      %add3A_223 = arith.addi %mul3A_2, %mul3A_222 : i32
      %dma_start3A_224 = arith.constant 0 : i32
      %dma_start3A_225 = tpu.memref_slice %arg3[%dma_start3A_224, %add3A_223] : memref<64x100000xi32, #tpu.memory_space<hbm>> -> memref<32x128xi32, #tpu.memory_space<hbm>>
      %dma_start3A_226 = arith.constant 0 : i32
      %dma_start3A_227 = tpu.memref_slice %arg3[%dma_start3A_226, %add3A_223] : memref<64x100000xi32, #tpu.memory_space<hbm>> -> memref<32x128xi32, #tpu.memory_space<hbm>>
      tpu.enqueue_dma source(%dma_start3A_227 : memref<32x128xi32, #tpu.memory_space<hbm>>) target(%arg7 : memref<32x128xi32, #tpu.memory_space<vmem>>) target_semaphore(%arg14 : memref<!tpu.dma_semaphore, #tpu.memory_space<semaphore_mem>>)
      %dma_start3A_228 = arith.constant 0 : i32
      %dma_start3A_229 = tpu.memref_slice %arg4[%dma_start3A_228, %add3A_223] : memref<64x100000xf32, #tpu.memory_space<hbm>> -> memref<32x128xf32, #tpu.memory_space<hbm>>
      %dma_start3A_230 = arith.constant 0 : i32
      %dma_start3A_231 = tpu.memref_slice %arg4[%dma_start3A_230, %add3A_223] : memref<64x100000xf32, #tpu.memory_space<hbm>> -> memref<32x128xf32, #tpu.memory_space<hbm>>
      tpu.enqueue_dma source(%dma_start3A_231 : memref<32x128xf32, #tpu.memory_space<hbm>>) target(%arg9 : memref<32x128xf32, #tpu.memory_space<vmem>>) target_semaphore(%arg14 : memref<!tpu.dma_semaphore, #tpu.memory_space<semaphore_mem>>)
      %sub3A_232 = arith.constant 1 : i32
      %sub3A_233 = arith.subi %select_n3A, %sub3A_232 : i32
      %min3A_234 = arith.minsi %while3A_107, %sub3A_233 : i32
      %mul3A_235 = arith.constant 128 : i32
      %mul3A_236 = arith.muli %min3A_234, %mul3A_235 : i32
      %add3A_237 = arith.addi %mul3A_2, %mul3A_236 : i32
      %dma_wait3A_238 = arith.constant 32 : i32
      %dma_wait3A_239 = tpu.memref_slice %arg3[%dma_wait3A_238, %add3A_237] : memref<64x100000xi32, #tpu.memory_space<hbm>> -> memref<32x128xi32, #tpu.memory_space<hbm>>
      %dma_wait3A_240 = arith.constant 32 : i32
      %dma_wait3A_241 = tpu.memref_slice %arg3[%dma_wait3A_240, %add3A_237] : memref<64x100000xi32, #tpu.memory_space<hbm>> -> memref<32x128xi32, #tpu.memory_space<hbm>>
      tpu.wait_dma2 semaphore(%arg15 : memref<!tpu.dma_semaphore, #tpu.memory_space<semaphore_mem>>) src(%dma_wait3A_241 : memref<32x128xi32, #tpu.memory_space<hbm>>) dst(%arg8 : memref<32x128xi32, #tpu.memory_space<vmem>>)
      %dma_wait3A_242 = arith.constant 32 : i32
      %dma_wait3A_243 = tpu.memref_slice %arg4[%dma_wait3A_242, %add3A_237] : memref<64x100000xf32, #tpu.memory_space<hbm>> -> memref<32x128xf32, #tpu.memory_space<hbm>>
      %dma_wait3A_244 = arith.constant 32 : i32
      %dma_wait3A_245 = tpu.memref_slice %arg4[%dma_wait3A_244, %add3A_237] : memref<64x100000xf32, #tpu.memory_space<hbm>> -> memref<32x128xf32, #tpu.memory_space<hbm>>
      tpu.wait_dma2 semaphore(%arg15 : memref<!tpu.dma_semaphore, #tpu.memory_space<semaphore_mem>>) src(%dma_wait3A_245 : memref<32x128xf32, #tpu.memory_space<hbm>>) dst(%arg10 : memref<32x128xf32, #tpu.memory_space<vmem>>)
      %mul3A_246 = arith.constant 128 : i32
      %mul3A_247 = arith.muli %while3A_107, %mul3A_246 : i32
      %add3A_248 = arith.addi %mul3A_2, %mul3A_247 : i32
      %broadcast_in_dim3A_249 = arith.constant 0.000000e+00 : f32
      %broadcast_in_dim3A_250 = vector.broadcast %broadcast_in_dim3A_249 : f32 to vector<16xf32>
      %broadcast_in_dim3A_251 = arith.constant 0.000000e+00 : f32
      %broadcast_in_dim3A_252 = vector.broadcast %broadcast_in_dim3A_251 : f32 to vector<16xf32>
      %broadcast_in_dim3A_253 = arith.constant 0.000000e+00 : f32
      %broadcast_in_dim3A_254 = vector.broadcast %broadcast_in_dim3A_253 : f32 to vector<16xf32>
      %broadcast_in_dim3A_255 = arith.constant 0.000000e+00 : f32
      %broadcast_in_dim3A_256 = vector.broadcast %broadcast_in_dim3A_255 : f32 to vector<16xf32>
      %broadcast_in_dim3A_257 = arith.constant 0.000000e+00 : f32
      %broadcast_in_dim3A_258 = vector.broadcast %broadcast_in_dim3A_257 : f32 to vector<16xf32>
      %broadcast_in_dim3A_259 = arith.constant 0.000000e+00 : f32
      %broadcast_in_dim3A_260 = vector.broadcast %broadcast_in_dim3A_259 : f32 to vector<16xf32>
      %broadcast_in_dim3A_261 = arith.constant 0.000000e+00 : f32
      %broadcast_in_dim3A_262 = vector.broadcast %broadcast_in_dim3A_261 : f32 to vector<16xf32>
      %broadcast_in_dim3A_263 = arith.constant 0.000000e+00 : f32
      %broadcast_in_dim3A_264 = vector.broadcast %broadcast_in_dim3A_263 : f32 to vector<16xf32>
      %while3A_265 = arith.constant 0 : i32
      %while3A_266 = arith.constant 32 : i32
      %while3A_267 = arith.subi %while3A_266, %while3A_265 : i32
      %while3A_268 = arith.addi %while3A_265, %while3A_267 : i32
      %while3A_269 = arith.constant 1 : i32
      %while3A_270 = arith.divsi %while3A_267, %while3A_269 : i32
      %while3A_271 = arith.muli %while3A_270, %while3A_269 : i32
      %while3A_272 = arith.addi %while3A_265, %while3A_271 : i32
      %while3A_273 = arith.constant 1 : i32
      %while3A_274:8 = scf.for %while3A_325 = %while3A_265 to %while3A_272 step %while3A_273 iter_args(%while3A_326 = %broadcast_in_dim3A_250, %while3A_327 = %broadcast_in_dim3A_252, %while3A_328 = %broadcast_in_dim3A_254, %while3A_329 = %broadcast_in_dim3A_256, %while3A_330 = %broadcast_in_dim3A_258, %while3A_331 = %broadcast_in_dim3A_260, %while3A_332 = %broadcast_in_dim3A_262, %while3A_333 = %broadcast_in_dim3A_264) -> (vector<16xf32>, vector<16xf32>, vector<16xf32>, vector<16xf32>, vector<16xf32>, vector<16xf32>, vector<16xf32>, vector<16xf32>)  : i32 {
        %get3A_334 = arith.index_cast %while3A_325 : i32 to index
        %get3A_335 = arith.constant 0 : index
        %get3A_336 = tpu.vector_load %arg8[%get3A_334, %get3A_335] {strides = array<i32>} : memref<32x128xi32, #tpu.memory_space<vmem>>, vector<16xi32>,
        %bitcast3A = vector.bitcast %get3A_336 : vector<16xi32> to vector<16xi32>
        %get3A_337 = arith.index_cast %while3A_325 : i32 to index
        %get3A_338 = arith.constant 0 : index
        %get3A_339 = tpu.vector_load %arg10[%get3A_337, %get3A_338] {strides = array<i32>} : memref<32x128xf32, #tpu.memory_space<vmem>>, vector<16xf32>,
        %gather3A = tpu.vector_load_idx %arg6[%bitcast3A] : memref<100000xf32, #tpu.memory_space<vmem>>[vector<16xi32>], vector<16xf32>,
        %div3A = arith.divf %gather3A, %get3A_339 : vector<16xf32>
        %add3A_340 = arith.addf %while3A_326, %div3A : vector<16xf32>
        %get3A_341 = arith.index_cast %while3A_325 : i32 to index
        %get3A_342 = arith.constant 16 : index
        %get3A_343 = tpu.vector_load %arg8[%get3A_341, %get3A_342] {strides = array<i32>} : memref<32x128xi32, #tpu.memory_space<vmem>>, vector<16xi32>,
        %bitcast3A_344 = vector.bitcast %get3A_343 : vector<16xi32> to vector<16xi32>
        %get3A_345 = arith.index_cast %while3A_325 : i32 to index
        %get3A_346 = arith.constant 16 : index
        %get3A_347 = tpu.vector_load %arg10[%get3A_345, %get3A_346] {strides = array<i32>} : memref<32x128xf32, #tpu.memory_space<vmem>>, vector<16xf32>,
        %gather3A_348 = tpu.vector_load_idx %arg6[%bitcast3A_344] : memref<100000xf32, #tpu.memory_space<vmem>>[vector<16xi32>], vector<16xf32>,
        %div3A_349 = arith.divf %gather3A_348, %get3A_347 : vector<16xf32>
        %add3A_350 = arith.addf %while3A_327, %div3A_349 : vector<16xf32>
        %get3A_351 = arith.index_cast %while3A_325 : i32 to index
        %get3A_352 = arith.constant 32 : index
        %get3A_353 = tpu.vector_load %arg8[%get3A_351, %get3A_352] {strides = array<i32>} : memref<32x128xi32, #tpu.memory_space<vmem>>, vector<16xi32>,
        %bitcast3A_354 = vector.bitcast %get3A_353 : vector<16xi32> to vector<16xi32>
        %get3A_355 = arith.index_cast %while3A_325 : i32 to index
        %get3A_356 = arith.constant 32 : index
        %get3A_357 = tpu.vector_load %arg10[%get3A_355, %get3A_356] {strides = array<i32>} : memref<32x128xf32, #tpu.memory_space<vmem>>, vector<16xf32>,
        %gather3A_358 = tpu.vector_load_idx %arg6[%bitcast3A_354] : memref<100000xf32, #tpu.memory_space<vmem>>[vector<16xi32>], vector<16xf32>,
        %div3A_359 = arith.divf %gather3A_358, %get3A_357 : vector<16xf32>
        %add3A_360 = arith.addf %while3A_328, %div3A_359 : vector<16xf32>
        %get3A_361 = arith.index_cast %while3A_325 : i32 to index
        %get3A_362 = arith.constant 48 : index
        %get3A_363 = tpu.vector_load %arg8[%get3A_361, %get3A_362] {strides = array<i32>} : memref<32x128xi32, #tpu.memory_space<vmem>>, vector<16xi32>,
        %bitcast3A_364 = vector.bitcast %get3A_363 : vector<16xi32> to vector<16xi32>
        %get3A_365 = arith.index_cast %while3A_325 : i32 to index
        %get3A_366 = arith.constant 48 : index
        %get3A_367 = tpu.vector_load %arg10[%get3A_365, %get3A_366] {strides = array<i32>} : memref<32x128xf32, #tpu.memory_space<vmem>>, vector<16xf32>,
        %gather3A_368 = tpu.vector_load_idx %arg6[%bitcast3A_364] : memref<100000xf32, #tpu.memory_space<vmem>>[vector<16xi32>], vector<16xf32>,
        %div3A_369 = arith.divf %gather3A_368, %get3A_367 : vector<16xf32>
        %add3A_370 = arith.addf %while3A_329, %div3A_369 : vector<16xf32>
        %get3A_371 = arith.index_cast %while3A_325 : i32 to index
        %get3A_372 = arith.constant 64 : index
        %get3A_373 = tpu.vector_load %arg8[%get3A_371, %get3A_372] {strides = array<i32>} : memref<32x128xi32, #tpu.memory_space<vmem>>, vector<16xi32>,
        %bitcast3A_374 = vector.bitcast %get3A_373 : vector<16xi32> to vector<16xi32>
        %get3A_375 = arith.index_cast %while3A_325 : i32 to index
        %get3A_376 = arith.constant 64 : index
        %get3A_377 = tpu.vector_load %arg10[%get3A_375, %get3A_376] {strides = array<i32>} : memref<32x128xf32, #tpu.memory_space<vmem>>, vector<16xf32>,
        %gather3A_378 = tpu.vector_load_idx %arg6[%bitcast3A_374] : memref<100000xf32, #tpu.memory_space<vmem>>[vector<16xi32>], vector<16xf32>,
        %div3A_379 = arith.divf %gather3A_378, %get3A_377 : vector<16xf32>
        %add3A_380 = arith.addf %while3A_330, %div3A_379 : vector<16xf32>
        %get3A_381 = arith.index_cast %while3A_325 : i32 to index
        %get3A_382 = arith.constant 80 : index
        %get3A_383 = tpu.vector_load %arg8[%get3A_381, %get3A_382] {strides = array<i32>} : memref<32x128xi32, #tpu.memory_space<vmem>>, vector<16xi32>,
        %bitcast3A_384 = vector.bitcast %get3A_383 : vector<16xi32> to vector<16xi32>
        %get3A_385 = arith.index_cast %while3A_325 : i32 to index
        %get3A_386 = arith.constant 80 : index
        %get3A_387 = tpu.vector_load %arg10[%get3A_385, %get3A_386] {strides = array<i32>} : memref<32x128xf32, #tpu.memory_space<vmem>>, vector<16xf32>,
        %gather3A_388 = tpu.vector_load_idx %arg6[%bitcast3A_384] : memref<100000xf32, #tpu.memory_space<vmem>>[vector<16xi32>], vector<16xf32>,
        %div3A_389 = arith.divf %gather3A_388, %get3A_387 : vector<16xf32>
        %add3A_390 = arith.addf %while3A_331, %div3A_389 : vector<16xf32>
        %get3A_391 = arith.index_cast %while3A_325 : i32 to index
        %get3A_392 = arith.constant 96 : index
        %get3A_393 = tpu.vector_load %arg8[%get3A_391, %get3A_392] {strides = array<i32>} : memref<32x128xi32, #tpu.memory_space<vmem>>, vector<16xi32>,
        %bitcast3A_394 = vector.bitcast %get3A_393 : vector<16xi32> to vector<16xi32>
        %get3A_395 = arith.index_cast %while3A_325 : i32 to index
        %get3A_396 = arith.constant 96 : index
        %get3A_397 = tpu.vector_load %arg10[%get3A_395, %get3A_396] {strides = array<i32>} : memref<32x128xf32, #tpu.memory_space<vmem>>, vector<16xf32>,
        %gather3A_398 = tpu.vector_load_idx %arg6[%bitcast3A_394] : memref<100000xf32, #tpu.memory_space<vmem>>[vector<16xi32>], vector<16xf32>,
        %div3A_399 = arith.divf %gather3A_398, %get3A_397 : vector<16xf32>
        %add3A_400 = arith.addf %while3A_332, %div3A_399 : vector<16xf32>
        %get3A_401 = arith.index_cast %while3A_325 : i32 to index
        %get3A_402 = arith.constant 112 : index
        %get3A_403 = tpu.vector_load %arg8[%get3A_401, %get3A_402] {strides = array<i32>} : memref<32x128xi32, #tpu.memory_space<vmem>>, vector<16xi32>,
        %bitcast3A_404 = vector.bitcast %get3A_403 : vector<16xi32> to vector<16xi32>
        %get3A_405 = arith.index_cast %while3A_325 : i32 to index
        %get3A_406 = arith.constant 112 : index
        %get3A_407 = tpu.vector_load %arg10[%get3A_405, %get3A_406] {strides = array<i32>} : memref<32x128xf32, #tpu.memory_space<vmem>>, vector<16xf32>,
        %gather3A_408 = tpu.vector_load_idx %arg6[%bitcast3A_404] : memref<100000xf32, #tpu.memory_space<vmem>>[vector<16xi32>], vector<16xf32>,
        %div3A_409 = arith.divf %gather3A_408, %get3A_407 : vector<16xf32>
        %add3A_410 = arith.addf %while3A_333, %div3A_409 : vector<16xf32>
        scf.yield %add3A_340, %add3A_350, %add3A_360, %add3A_370, %add3A_380, %add3A_390, %add3A_400, %add3A_410 : vector<16xf32>, vector<16xf32>, vector<16xf32>, vector<16xf32>, vector<16xf32>, vector<16xf32>, vector<16xf32>, vector<16xf32>
      }
      %while3A_275 = arith.constant 1 : i32
      %while3A_276:8 = scf.for %while3A_325 = %while3A_272 to %while3A_268 step %while3A_275 iter_args(%while3A_326 = %while3A_274#0, %while3A_327 = %while3A_274#1, %while3A_328 = %while3A_274#2, %while3A_329 = %while3A_274#3, %while3A_330 = %while3A_274#4, %while3A_331 = %while3A_274#5, %while3A_332 = %while3A_274#6, %while3A_333 = %while3A_274#7) -> (vector<16xf32>, vector<16xf32>, vector<16xf32>, vector<16xf32>, vector<16xf32>, vector<16xf32>, vector<16xf32>, vector<16xf32>)  : i32 {
        %get3A_334 = arith.index_cast %while3A_325 : i32 to index
        %get3A_335 = arith.constant 0 : index
        %get3A_336 = tpu.vector_load %arg8[%get3A_334, %get3A_335] {strides = array<i32>} : memref<32x128xi32, #tpu.memory_space<vmem>>, vector<16xi32>,
        %bitcast3A = vector.bitcast %get3A_336 : vector<16xi32> to vector<16xi32>
        %get3A_337 = arith.index_cast %while3A_325 : i32 to index
        %get3A_338 = arith.constant 0 : index
        %get3A_339 = tpu.vector_load %arg10[%get3A_337, %get3A_338] {strides = array<i32>} : memref<32x128xf32, #tpu.memory_space<vmem>>, vector<16xf32>,
        %gather3A = tpu.vector_load_idx %arg6[%bitcast3A] : memref<100000xf32, #tpu.memory_space<vmem>>[vector<16xi32>], vector<16xf32>,
        %div3A = arith.divf %gather3A, %get3A_339 : vector<16xf32>
        %add3A_340 = arith.addf %while3A_326, %div3A : vector<16xf32>
        %get3A_341 = arith.index_cast %while3A_325 : i32 to index
        %get3A_342 = arith.constant 16 : index
        %get3A_343 = tpu.vector_load %arg8[%get3A_341, %get3A_342] {strides = array<i32>} : memref<32x128xi32, #tpu.memory_space<vmem>>, vector<16xi32>,
        %bitcast3A_344 = vector.bitcast %get3A_343 : vector<16xi32> to vector<16xi32>
        %get3A_345 = arith.index_cast %while3A_325 : i32 to index
        %get3A_346 = arith.constant 16 : index
        %get3A_347 = tpu.vector_load %arg10[%get3A_345, %get3A_346] {strides = array<i32>} : memref<32x128xf32, #tpu.memory_space<vmem>>, vector<16xf32>,
        %gather3A_348 = tpu.vector_load_idx %arg6[%bitcast3A_344] : memref<100000xf32, #tpu.memory_space<vmem>>[vector<16xi32>], vector<16xf32>,
        %div3A_349 = arith.divf %gather3A_348, %get3A_347 : vector<16xf32>
        %add3A_350 = arith.addf %while3A_327, %div3A_349 : vector<16xf32>
        %get3A_351 = arith.index_cast %while3A_325 : i32 to index
        %get3A_352 = arith.constant 32 : index
        %get3A_353 = tpu.vector_load %arg8[%get3A_351, %get3A_352] {strides = array<i32>} : memref<32x128xi32, #tpu.memory_space<vmem>>, vector<16xi32>,
        %bitcast3A_354 = vector.bitcast %get3A_353 : vector<16xi32> to vector<16xi32>
        %get3A_355 = arith.index_cast %while3A_325 : i32 to index
        %get3A_356 = arith.constant 32 : index
        %get3A_357 = tpu.vector_load %arg10[%get3A_355, %get3A_356] {strides = array<i32>} : memref<32x128xf32, #tpu.memory_space<vmem>>, vector<16xf32>,
        %gather3A_358 = tpu.vector_load_idx %arg6[%bitcast3A_354] : memref<100000xf32, #tpu.memory_space<vmem>>[vector<16xi32>], vector<16xf32>,
        %div3A_359 = arith.divf %gather3A_358, %get3A_357 : vector<16xf32>
        %add3A_360 = arith.addf %while3A_328, %div3A_359 : vector<16xf32>
        %get3A_361 = arith.index_cast %while3A_325 : i32 to index
        %get3A_362 = arith.constant 48 : index
        %get3A_363 = tpu.vector_load %arg8[%get3A_361, %get3A_362] {strides = array<i32>} : memref<32x128xi32, #tpu.memory_space<vmem>>, vector<16xi32>,
        %bitcast3A_364 = vector.bitcast %get3A_363 : vector<16xi32> to vector<16xi32>
        %get3A_365 = arith.index_cast %while3A_325 : i32 to index
        %get3A_366 = arith.constant 48 : index
        %get3A_367 = tpu.vector_load %arg10[%get3A_365, %get3A_366] {strides = array<i32>} : memref<32x128xf32, #tpu.memory_space<vmem>>, vector<16xf32>,
        %gather3A_368 = tpu.vector_load_idx %arg6[%bitcast3A_364] : memref<100000xf32, #tpu.memory_space<vmem>>[vector<16xi32>], vector<16xf32>,
        %div3A_369 = arith.divf %gather3A_368, %get3A_367 : vector<16xf32>
        %add3A_370 = arith.addf %while3A_329, %div3A_369 : vector<16xf32>
        %get3A_371 = arith.index_cast %while3A_325 : i32 to index
        %get3A_372 = arith.constant 64 : index
        %get3A_373 = tpu.vector_load %arg8[%get3A_371, %get3A_372] {strides = array<i32>} : memref<32x128xi32, #tpu.memory_space<vmem>>, vector<16xi32>,
        %bitcast3A_374 = vector.bitcast %get3A_373 : vector<16xi32> to vector<16xi32>
        %get3A_375 = arith.index_cast %while3A_325 : i32 to index
        %get3A_376 = arith.constant 64 : index
        %get3A_377 = tpu.vector_load %arg10[%get3A_375, %get3A_376] {strides = array<i32>} : memref<32x128xf32, #tpu.memory_space<vmem>>, vector<16xf32>,
        %gather3A_378 = tpu.vector_load_idx %arg6[%bitcast3A_374] : memref<100000xf32, #tpu.memory_space<vmem>>[vector<16xi32>], vector<16xf32>,
        %div3A_379 = arith.divf %gather3A_378, %get3A_377 : vector<16xf32>
        %add3A_380 = arith.addf %while3A_330, %div3A_379 : vector<16xf32>
        %get3A_381 = arith.index_cast %while3A_325 : i32 to index
        %get3A_382 = arith.constant 80 : index
        %get3A_383 = tpu.vector_load %arg8[%get3A_381, %get3A_382] {strides = array<i32>} : memref<32x128xi32, #tpu.memory_space<vmem>>, vector<16xi32>,
        %bitcast3A_384 = vector.bitcast %get3A_383 : vector<16xi32> to vector<16xi32>
        %get3A_385 = arith.index_cast %while3A_325 : i32 to index
        %get3A_386 = arith.constant 80 : index
        %get3A_387 = tpu.vector_load %arg10[%get3A_385, %get3A_386] {strides = array<i32>} : memref<32x128xf32, #tpu.memory_space<vmem>>, vector<16xf32>,
        %gather3A_388 = tpu.vector_load_idx %arg6[%bitcast3A_384] : memref<100000xf32, #tpu.memory_space<vmem>>[vector<16xi32>], vector<16xf32>,
        %div3A_389 = arith.divf %gather3A_388, %get3A_387 : vector<16xf32>
        %add3A_390 = arith.addf %while3A_331, %div3A_389 : vector<16xf32>
        %get3A_391 = arith.index_cast %while3A_325 : i32 to index
        %get3A_392 = arith.constant 96 : index
        %get3A_393 = tpu.vector_load %arg8[%get3A_391, %get3A_392] {strides = array<i32>} : memref<32x128xi32, #tpu.memory_space<vmem>>, vector<16xi32>,
        %bitcast3A_394 = vector.bitcast %get3A_393 : vector<16xi32> to vector<16xi32>
        %get3A_395 = arith.index_cast %while3A_325 : i32 to index
        %get3A_396 = arith.constant 96 : index
        %get3A_397 = tpu.vector_load %arg10[%get3A_395, %get3A_396] {strides = array<i32>} : memref<32x128xf32, #tpu.memory_space<vmem>>, vector<16xf32>,
        %gather3A_398 = tpu.vector_load_idx %arg6[%bitcast3A_394] : memref<100000xf32, #tpu.memory_space<vmem>>[vector<16xi32>], vector<16xf32>,
        %div3A_399 = arith.divf %gather3A_398, %get3A_397 : vector<16xf32>
        %add3A_400 = arith.addf %while3A_332, %div3A_399 : vector<16xf32>
        %get3A_401 = arith.index_cast %while3A_325 : i32 to index
        %get3A_402 = arith.constant 112 : index
        %get3A_403 = tpu.vector_load %arg8[%get3A_401, %get3A_402] {strides = array<i32>} : memref<32x128xi32, #tpu.memory_space<vmem>>, vector<16xi32>,
        %bitcast3A_404 = vector.bitcast %get3A_403 : vector<16xi32> to vector<16xi32>
        %get3A_405 = arith.index_cast %while3A_325 : i32 to index
        %get3A_406 = arith.constant 112 : index
        %get3A_407 = tpu.vector_load %arg10[%get3A_405, %get3A_406] {strides = array<i32>} : memref<32x128xf32, #tpu.memory_space<vmem>>, vector<16xf32>,
        %gather3A_408 = tpu.vector_load_idx %arg6[%bitcast3A_404] : memref<100000xf32, #tpu.memory_space<vmem>>[vector<16xi32>], vector<16xf32>,
        %div3A_409 = arith.divf %gather3A_408, %get3A_407 : vector<16xf32>
        %add3A_410 = arith.addf %while3A_333, %div3A_409 : vector<16xf32>
        scf.yield %add3A_340, %add3A_350, %add3A_360, %add3A_370, %add3A_380, %add3A_390, %add3A_400, %add3A_410 : vector<16xf32>, vector<16xf32>, vector<16xf32>, vector<16xf32>, vector<16xf32>, vector<16xf32>, vector<16xf32>, vector<16xf32>
      }
      %add3A_277 = arith.constant 0 : i32
      %add3A_278 = arith.addi %add3A_248, %add3A_277 : i32
      %get3A_279 = arith.index_cast %add3A_278 : i32 to index
      %get3A_280 = tpu.vector_load %arg6[%get3A_279] {strides = array<i32>} : memref<100000xf32, #tpu.memory_space<vmem>>, vector<16xf32>,
      %mul3A_281 = arith.mulf %while3A_276#0, %get3A_280 : vector<16xf32>
      %add3A_282 = arith.addf %add3A_215, %mul3A_281 : vector<16xf32>
      %add3A_283 = arith.constant 16 : i32
      %add3A_284 = arith.addi %add3A_248, %add3A_283 : i32
      %get3A_285 = arith.index_cast %add3A_284 : i32 to index
      %get3A_286 = tpu.vector_load %arg6[%get3A_285] {strides = array<i32>} : memref<100000xf32, #tpu.memory_space<vmem>>, vector<16xf32>,
      %mul3A_287 = arith.mulf %while3A_276#1, %get3A_286 : vector<16xf32>
      %add3A_288 = arith.addf %add3A_282, %mul3A_287 : vector<16xf32>
      %add3A_289 = arith.constant 32 : i32
      %add3A_290 = arith.addi %add3A_248, %add3A_289 : i32
      %get3A_291 = arith.index_cast %add3A_290 : i32 to index
      %get3A_292 = tpu.vector_load %arg6[%get3A_291] {strides = array<i32>} : memref<100000xf32, #tpu.memory_space<vmem>>, vector<16xf32>,
      %mul3A_293 = arith.mulf %while3A_276#2, %get3A_292 : vector<16xf32>
      %add3A_294 = arith.addf %add3A_288, %mul3A_293 : vector<16xf32>
      %add3A_295 = arith.constant 48 : i32
      %add3A_296 = arith.addi %add3A_248, %add3A_295 : i32
      %get3A_297 = arith.index_cast %add3A_296 : i32 to index
      %get3A_298 = tpu.vector_load %arg6[%get3A_297] {strides = array<i32>} : memref<100000xf32, #tpu.memory_space<vmem>>, vector<16xf32>,
      %mul3A_299 = arith.mulf %while3A_276#3, %get3A_298 : vector<16xf32>
      %add3A_300 = arith.addf %add3A_294, %mul3A_299 : vector<16xf32>
      %add3A_301 = arith.constant 64 : i32
      %add3A_302 = arith.addi %add3A_248, %add3A_301 : i32
      %get3A_303 = arith.index_cast %add3A_302 : i32 to index
      %get3A_304 = tpu.vector_load %arg6[%get3A_303] {strides = array<i32>} : memref<100000xf32, #tpu.memory_space<vmem>>, vector<16xf32>,
      %mul3A_305 = arith.mulf %while3A_276#4, %get3A_304 : vector<16xf32>
      %add3A_306 = arith.addf %add3A_300, %mul3A_305 : vector<16xf32>
      %add3A_307 = arith.constant 80 : i32
      %add3A_308 = arith.addi %add3A_248, %add3A_307 : i32
      %get3A_309 = arith.index_cast %add3A_308 : i32 to index
      %get3A_310 = tpu.vector_load %arg6[%get3A_309] {strides = array<i32>} : memref<100000xf32, #tpu.memory_space<vmem>>, vector<16xf32>,
      %mul3A_311 = arith.mulf %while3A_276#5, %get3A_310 : vector<16xf32>
      %add3A_312 = arith.addf %add3A_306, %mul3A_311 : vector<16xf32>
      %add3A_313 = arith.constant 96 : i32
      %add3A_314 = arith.addi %add3A_248, %add3A_313 : i32
      %get3A_315 = arith.index_cast %add3A_314 : i32 to index
      %get3A_316 = tpu.vector_load %arg6[%get3A_315] {strides = array<i32>} : memref<100000xf32, #tpu.memory_space<vmem>>, vector<16xf32>,
      %mul3A_317 = arith.mulf %while3A_276#6, %get3A_316 : vector<16xf32>
      %add3A_318 = arith.addf %add3A_312, %mul3A_317 : vector<16xf32>
      %add3A_319 = arith.constant 112 : i32
      %add3A_320 = arith.addi %add3A_248, %add3A_319 : i32
      %get3A_321 = arith.index_cast %add3A_320 : i32 to index
      %get3A_322 = tpu.vector_load %arg6[%get3A_321] {strides = array<i32>} : memref<100000xf32, #tpu.memory_space<vmem>>, vector<16xf32>,
      %mul3A_323 = arith.mulf %while3A_276#7, %get3A_322 : vector<16xf32>
      %add3A_324 = arith.addf %add3A_318, %mul3A_323 : vector<16xf32>
      scf.yield %add3A_324 : vector<16xf32>
    }
    %while3A_39 = arith.constant 1 : i32
    %while3A_40 = scf.for %while3A_107 = %while3A_36 to %while3A_32 step %while3A_39 iter_args(%while3A_108 = %while3A_38) -> (vector<16xf32>)  : i32 {
      %sub3A_109 = arith.constant 1 : i32
      %sub3A_110 = arith.subi %select_n3A, %sub3A_109 : i32
      %min3A_111 = arith.minsi %while3A_107, %sub3A_110 : i32
      %mul3A_112 = arith.constant 128 : i32
      %mul3A_113 = arith.muli %min3A_111, %mul3A_112 : i32
      %add3A_114 = arith.addi %mul3A_2, %mul3A_113 : i32
      %dma_start3A_115 = arith.constant 32 : i32
      %dma_start3A_116 = tpu.memref_slice %arg3[%dma_start3A_115, %add3A_114] : memref<64x100000xi32, #tpu.memory_space<hbm>> -> memref<32x128xi32, #tpu.memory_space<hbm>>
      %dma_start3A_117 = arith.constant 32 : i32
      %dma_start3A_118 = tpu.memref_slice %arg3[%dma_start3A_117, %add3A_114] : memref<64x100000xi32, #tpu.memory_space<hbm>> -> memref<32x128xi32, #tpu.memory_space<hbm>>
      tpu.enqueue_dma source(%dma_start3A_118 : memref<32x128xi32, #tpu.memory_space<hbm>>) target(%arg8 : memref<32x128xi32, #tpu.memory_space<vmem>>) target_semaphore(%arg15 : memref<!tpu.dma_semaphore, #tpu.memory_space<semaphore_mem>>)
      %dma_start3A_119 = arith.constant 32 : i32
      %dma_start3A_120 = tpu.memref_slice %arg4[%dma_start3A_119, %add3A_114] : memref<64x100000xf32, #tpu.memory_space<hbm>> -> memref<32x128xf32, #tpu.memory_space<hbm>>
      %dma_start3A_121 = arith.constant 32 : i32
      %dma_start3A_122 = tpu.memref_slice %arg4[%dma_start3A_121, %add3A_114] : memref<64x100000xf32, #tpu.memory_space<hbm>> -> memref<32x128xf32, #tpu.memory_space<hbm>>
      tpu.enqueue_dma source(%dma_start3A_122 : memref<32x128xf32, #tpu.memory_space<hbm>>) target(%arg10 : memref<32x128xf32, #tpu.memory_space<vmem>>) target_semaphore(%arg15 : memref<!tpu.dma_semaphore, #tpu.memory_space<semaphore_mem>>)
      %sub3A_123 = arith.constant 1 : i32
      %sub3A_124 = arith.subi %select_n3A, %sub3A_123 : i32
      %min3A_125 = arith.minsi %while3A_107, %sub3A_124 : i32
      %mul3A_126 = arith.constant 128 : i32
      %mul3A_127 = arith.muli %min3A_125, %mul3A_126 : i32
      %add3A_128 = arith.addi %mul3A_2, %mul3A_127 : i32
      %dma_wait3A_129 = arith.constant 0 : i32
      %dma_wait3A_130 = tpu.memref_slice %arg3[%dma_wait3A_129, %add3A_128] : memref<64x100000xi32, #tpu.memory_space<hbm>> -> memref<32x128xi32, #tpu.memory_space<hbm>>
      %dma_wait3A_131 = arith.constant 0 : i32
      %dma_wait3A_132 = tpu.memref_slice %arg3[%dma_wait3A_131, %add3A_128] : memref<64x100000xi32, #tpu.memory_space<hbm>> -> memref<32x128xi32, #tpu.memory_space<hbm>>
      tpu.wait_dma2 semaphore(%arg14 : memref<!tpu.dma_semaphore, #tpu.memory_space<semaphore_mem>>) src(%dma_wait3A_132 : memref<32x128xi32, #tpu.memory_space<hbm>>) dst(%arg7 : memref<32x128xi32, #tpu.memory_space<vmem>>)
      %dma_wait3A_133 = arith.constant 0 : i32
      %dma_wait3A_134 = tpu.memref_slice %arg4[%dma_wait3A_133, %add3A_128] : memref<64x100000xf32, #tpu.memory_space<hbm>> -> memref<32x128xf32, #tpu.memory_space<hbm>>
      %dma_wait3A_135 = arith.constant 0 : i32
      %dma_wait3A_136 = tpu.memref_slice %arg4[%dma_wait3A_135, %add3A_128] : memref<64x100000xf32, #tpu.memory_space<hbm>> -> memref<32x128xf32, #tpu.memory_space<hbm>>
      tpu.wait_dma2 semaphore(%arg14 : memref<!tpu.dma_semaphore, #tpu.memory_space<semaphore_mem>>) src(%dma_wait3A_136 : memref<32x128xf32, #tpu.memory_space<hbm>>) dst(%arg9 : memref<32x128xf32, #tpu.memory_space<vmem>>)
      %mul3A_137 = arith.constant 128 : i32
      %mul3A_138 = arith.muli %while3A_107, %mul3A_137 : i32
      %add3A_139 = arith.addi %mul3A_2, %mul3A_138 : i32
      %broadcast_in_dim3A_140 = arith.constant 0.000000e+00 : f32
      %broadcast_in_dim3A_141 = vector.broadcast %broadcast_in_dim3A_140 : f32 to vector<16xf32>
      %broadcast_in_dim3A_142 = arith.constant 0.000000e+00 : f32
      %broadcast_in_dim3A_143 = vector.broadcast %broadcast_in_dim3A_142 : f32 to vector<16xf32>
      %broadcast_in_dim3A_144 = arith.constant 0.000000e+00 : f32
      %broadcast_in_dim3A_145 = vector.broadcast %broadcast_in_dim3A_144 : f32 to vector<16xf32>
      %broadcast_in_dim3A_146 = arith.constant 0.000000e+00 : f32
      %broadcast_in_dim3A_147 = vector.broadcast %broadcast_in_dim3A_146 : f32 to vector<16xf32>
      %broadcast_in_dim3A_148 = arith.constant 0.000000e+00 : f32
      %broadcast_in_dim3A_149 = vector.broadcast %broadcast_in_dim3A_148 : f32 to vector<16xf32>
      %broadcast_in_dim3A_150 = arith.constant 0.000000e+00 : f32
      %broadcast_in_dim3A_151 = vector.broadcast %broadcast_in_dim3A_150 : f32 to vector<16xf32>
      %broadcast_in_dim3A_152 = arith.constant 0.000000e+00 : f32
      %broadcast_in_dim3A_153 = vector.broadcast %broadcast_in_dim3A_152 : f32 to vector<16xf32>
      %broadcast_in_dim3A_154 = arith.constant 0.000000e+00 : f32
      %broadcast_in_dim3A_155 = vector.broadcast %broadcast_in_dim3A_154 : f32 to vector<16xf32>
      %while3A_156 = arith.constant 0 : i32
      %while3A_157 = arith.constant 32 : i32
      %while3A_158 = arith.subi %while3A_157, %while3A_156 : i32
      %while3A_159 = arith.addi %while3A_156, %while3A_158 : i32
      %while3A_160 = arith.constant 1 : i32
      %while3A_161 = arith.divsi %while3A_158, %while3A_160 : i32
      %while3A_162 = arith.muli %while3A_161, %while3A_160 : i32
      %while3A_163 = arith.addi %while3A_156, %while3A_162 : i32
      %while3A_164 = arith.constant 1 : i32
      %while3A_165:8 = scf.for %while3A_325 = %while3A_156 to %while3A_163 step %while3A_164 iter_args(%while3A_326 = %broadcast_in_dim3A_141, %while3A_327 = %broadcast_in_dim3A_143, %while3A_328 = %broadcast_in_dim3A_145, %while3A_329 = %broadcast_in_dim3A_147, %while3A_330 = %broadcast_in_dim3A_149, %while3A_331 = %broadcast_in_dim3A_151, %while3A_332 = %broadcast_in_dim3A_153, %while3A_333 = %broadcast_in_dim3A_155) -> (vector<16xf32>, vector<16xf32>, vector<16xf32>, vector<16xf32>, vector<16xf32>, vector<16xf32>, vector<16xf32>, vector<16xf32>)  : i32 {
        %get3A_334 = arith.index_cast %while3A_325 : i32 to index
        %get3A_335 = arith.constant 0 : index
        %get3A_336 = tpu.vector_load %arg7[%get3A_334, %get3A_335] {strides = array<i32>} : memref<32x128xi32, #tpu.memory_space<vmem>>, vector<16xi32>,
        %bitcast3A = vector.bitcast %get3A_336 : vector<16xi32> to vector<16xi32>
        %get3A_337 = arith.index_cast %while3A_325 : i32 to index
        %get3A_338 = arith.constant 0 : index
        %get3A_339 = tpu.vector_load %arg9[%get3A_337, %get3A_338] {strides = array<i32>} : memref<32x128xf32, #tpu.memory_space<vmem>>, vector<16xf32>,
        %gather3A = tpu.vector_load_idx %arg6[%bitcast3A] : memref<100000xf32, #tpu.memory_space<vmem>>[vector<16xi32>], vector<16xf32>,
        %div3A = arith.divf %gather3A, %get3A_339 : vector<16xf32>
        %add3A_340 = arith.addf %while3A_326, %div3A : vector<16xf32>
        %get3A_341 = arith.index_cast %while3A_325 : i32 to index
        %get3A_342 = arith.constant 16 : index
        %get3A_343 = tpu.vector_load %arg7[%get3A_341, %get3A_342] {strides = array<i32>} : memref<32x128xi32, #tpu.memory_space<vmem>>, vector<16xi32>,
        %bitcast3A_344 = vector.bitcast %get3A_343 : vector<16xi32> to vector<16xi32>
        %get3A_345 = arith.index_cast %while3A_325 : i32 to index
        %get3A_346 = arith.constant 16 : index
        %get3A_347 = tpu.vector_load %arg9[%get3A_345, %get3A_346] {strides = array<i32>} : memref<32x128xf32, #tpu.memory_space<vmem>>, vector<16xf32>,
        %gather3A_348 = tpu.vector_load_idx %arg6[%bitcast3A_344] : memref<100000xf32, #tpu.memory_space<vmem>>[vector<16xi32>], vector<16xf32>,
        %div3A_349 = arith.divf %gather3A_348, %get3A_347 : vector<16xf32>
        %add3A_350 = arith.addf %while3A_327, %div3A_349 : vector<16xf32>
        %get3A_351 = arith.index_cast %while3A_325 : i32 to index
        %get3A_352 = arith.constant 32 : index
        %get3A_353 = tpu.vector_load %arg7[%get3A_351, %get3A_352] {strides = array<i32>} : memref<32x128xi32, #tpu.memory_space<vmem>>, vector<16xi32>,
        %bitcast3A_354 = vector.bitcast %get3A_353 : vector<16xi32> to vector<16xi32>
        %get3A_355 = arith.index_cast %while3A_325 : i32 to index
        %get3A_356 = arith.constant 32 : index
        %get3A_357 = tpu.vector_load %arg9[%get3A_355, %get3A_356] {strides = array<i32>} : memref<32x128xf32, #tpu.memory_space<vmem>>, vector<16xf32>,
        %gather3A_358 = tpu.vector_load_idx %arg6[%bitcast3A_354] : memref<100000xf32, #tpu.memory_space<vmem>>[vector<16xi32>], vector<16xf32>,
        %div3A_359 = arith.divf %gather3A_358, %get3A_357 : vector<16xf32>
        %add3A_360 = arith.addf %while3A_328, %div3A_359 : vector<16xf32>
        %get3A_361 = arith.index_cast %while3A_325 : i32 to index
        %get3A_362 = arith.constant 48 : index
        %get3A_363 = tpu.vector_load %arg7[%get3A_361, %get3A_362] {strides = array<i32>} : memref<32x128xi32, #tpu.memory_space<vmem>>, vector<16xi32>,
        %bitcast3A_364 = vector.bitcast %get3A_363 : vector<16xi32> to vector<16xi32>
        %get3A_365 = arith.index_cast %while3A_325 : i32 to index
        %get3A_366 = arith.constant 48 : index
        %get3A_367 = tpu.vector_load %arg9[%get3A_365, %get3A_366] {strides = array<i32>} : memref<32x128xf32, #tpu.memory_space<vmem>>, vector<16xf32>,
        %gather3A_368 = tpu.vector_load_idx %arg6[%bitcast3A_364] : memref<100000xf32, #tpu.memory_space<vmem>>[vector<16xi32>], vector<16xf32>,
        %div3A_369 = arith.divf %gather3A_368, %get3A_367 : vector<16xf32>
        %add3A_370 = arith.addf %while3A_329, %div3A_369 : vector<16xf32>
        %get3A_371 = arith.index_cast %while3A_325 : i32 to index
        %get3A_372 = arith.constant 64 : index
        %get3A_373 = tpu.vector_load %arg7[%get3A_371, %get3A_372] {strides = array<i32>} : memref<32x128xi32, #tpu.memory_space<vmem>>, vector<16xi32>,
        %bitcast3A_374 = vector.bitcast %get3A_373 : vector<16xi32> to vector<16xi32>
        %get3A_375 = arith.index_cast %while3A_325 : i32 to index
        %get3A_376 = arith.constant 64 : index
        %get3A_377 = tpu.vector_load %arg9[%get3A_375, %get3A_376] {strides = array<i32>} : memref<32x128xf32, #tpu.memory_space<vmem>>, vector<16xf32>,
        %gather3A_378 = tpu.vector_load_idx %arg6[%bitcast3A_374] : memref<100000xf32, #tpu.memory_space<vmem>>[vector<16xi32>], vector<16xf32>,
        %div3A_379 = arith.divf %gather3A_378, %get3A_377 : vector<16xf32>
        %add3A_380 = arith.addf %while3A_330, %div3A_379 : vector<16xf32>
        %get3A_381 = arith.index_cast %while3A_325 : i32 to index
        %get3A_382 = arith.constant 80 : index
        %get3A_383 = tpu.vector_load %arg7[%get3A_381, %get3A_382] {strides = array<i32>} : memref<32x128xi32, #tpu.memory_space<vmem>>, vector<16xi32>,
        %bitcast3A_384 = vector.bitcast %get3A_383 : vector<16xi32> to vector<16xi32>
        %get3A_385 = arith.index_cast %while3A_325 : i32 to index
        %get3A_386 = arith.constant 80 : index
        %get3A_387 = tpu.vector_load %arg9[%get3A_385, %get3A_386] {strides = array<i32>} : memref<32x128xf32, #tpu.memory_space<vmem>>, vector<16xf32>,
        %gather3A_388 = tpu.vector_load_idx %arg6[%bitcast3A_384] : memref<100000xf32, #tpu.memory_space<vmem>>[vector<16xi32>], vector<16xf32>,
        %div3A_389 = arith.divf %gather3A_388, %get3A_387 : vector<16xf32>
        %add3A_390 = arith.addf %while3A_331, %div3A_389 : vector<16xf32>
        %get3A_391 = arith.index_cast %while3A_325 : i32 to index
        %get3A_392 = arith.constant 96 : index
        %get3A_393 = tpu.vector_load %arg7[%get3A_391, %get3A_392] {strides = array<i32>} : memref<32x128xi32, #tpu.memory_space<vmem>>, vector<16xi32>,
        %bitcast3A_394 = vector.bitcast %get3A_393 : vector<16xi32> to vector<16xi32>
        %get3A_395 = arith.index_cast %while3A_325 : i32 to index
        %get3A_396 = arith.constant 96 : index
        %get3A_397 = tpu.vector_load %arg9[%get3A_395, %get3A_396] {strides = array<i32>} : memref<32x128xf32, #tpu.memory_space<vmem>>, vector<16xf32>,
        %gather3A_398 = tpu.vector_load_idx %arg6[%bitcast3A_394] : memref<100000xf32, #tpu.memory_space<vmem>>[vector<16xi32>], vector<16xf32>,
        %div3A_399 = arith.divf %gather3A_398, %get3A_397 : vector<16xf32>
        %add3A_400 = arith.addf %while3A_332, %div3A_399 : vector<16xf32>
        %get3A_401 = arith.index_cast %while3A_325 : i32 to index
        %get3A_402 = arith.constant 112 : index
        %get3A_403 = tpu.vector_load %arg7[%get3A_401, %get3A_402] {strides = array<i32>} : memref<32x128xi32, #tpu.memory_space<vmem>>, vector<16xi32>,
        %bitcast3A_404 = vector.bitcast %get3A_403 : vector<16xi32> to vector<16xi32>
        %get3A_405 = arith.index_cast %while3A_325 : i32 to index
        %get3A_406 = arith.constant 112 : index
        %get3A_407 = tpu.vector_load %arg9[%get3A_405, %get3A_406] {strides = array<i32>} : memref<32x128xf32, #tpu.memory_space<vmem>>, vector<16xf32>,
        %gather3A_408 = tpu.vector_load_idx %arg6[%bitcast3A_404] : memref<100000xf32, #tpu.memory_space<vmem>>[vector<16xi32>], vector<16xf32>,
        %div3A_409 = arith.divf %gather3A_408, %get3A_407 : vector<16xf32>
        %add3A_410 = arith.addf %while3A_333, %div3A_409 : vector<16xf32>
        scf.yield %add3A_340, %add3A_350, %add3A_360, %add3A_370, %add3A_380, %add3A_390, %add3A_400, %add3A_410 : vector<16xf32>, vector<16xf32>, vector<16xf32>, vector<16xf32>, vector<16xf32>, vector<16xf32>, vector<16xf32>, vector<16xf32>
      }
      %while3A_166 = arith.constant 1 : i32
      %while3A_167:8 = scf.for %while3A_325 = %while3A_163 to %while3A_159 step %while3A_166 iter_args(%while3A_326 = %while3A_165#0, %while3A_327 = %while3A_165#1, %while3A_328 = %while3A_165#2, %while3A_329 = %while3A_165#3, %while3A_330 = %while3A_165#4, %while3A_331 = %while3A_165#5, %while3A_332 = %while3A_165#6, %while3A_333 = %while3A_165#7) -> (vector<16xf32>, vector<16xf32>, vector<16xf32>, vector<16xf32>, vector<16xf32>, vector<16xf32>, vector<16xf32>, vector<16xf32>)  : i32 {
        %get3A_334 = arith.index_cast %while3A_325 : i32 to index
        %get3A_335 = arith.constant 0 : index
        %get3A_336 = tpu.vector_load %arg7[%get3A_334, %get3A_335] {strides = array<i32>} : memref<32x128xi32, #tpu.memory_space<vmem>>, vector<16xi32>,
        %bitcast3A = vector.bitcast %get3A_336 : vector<16xi32> to vector<16xi32>
        %get3A_337 = arith.index_cast %while3A_325 : i32 to index
        %get3A_338 = arith.constant 0 : index
        %get3A_339 = tpu.vector_load %arg9[%get3A_337, %get3A_338] {strides = array<i32>} : memref<32x128xf32, #tpu.memory_space<vmem>>, vector<16xf32>,
        %gather3A = tpu.vector_load_idx %arg6[%bitcast3A] : memref<100000xf32, #tpu.memory_space<vmem>>[vector<16xi32>], vector<16xf32>,
        %div3A = arith.divf %gather3A, %get3A_339 : vector<16xf32>
        %add3A_340 = arith.addf %while3A_326, %div3A : vector<16xf32>
        %get3A_341 = arith.index_cast %while3A_325 : i32 to index
        %get3A_342 = arith.constant 16 : index
        %get3A_343 = tpu.vector_load %arg7[%get3A_341, %get3A_342] {strides = array<i32>} : memref<32x128xi32, #tpu.memory_space<vmem>>, vector<16xi32>,
        %bitcast3A_344 = vector.bitcast %get3A_343 : vector<16xi32> to vector<16xi32>
        %get3A_345 = arith.index_cast %while3A_325 : i32 to index
        %get3A_346 = arith.constant 16 : index
        %get3A_347 = tpu.vector_load %arg9[%get3A_345, %get3A_346] {strides = array<i32>} : memref<32x128xf32, #tpu.memory_space<vmem>>, vector<16xf32>,
        %gather3A_348 = tpu.vector_load_idx %arg6[%bitcast3A_344] : memref<100000xf32, #tpu.memory_space<vmem>>[vector<16xi32>], vector<16xf32>,
        %div3A_349 = arith.divf %gather3A_348, %get3A_347 : vector<16xf32>
        %add3A_350 = arith.addf %while3A_327, %div3A_349 : vector<16xf32>
        %get3A_351 = arith.index_cast %while3A_325 : i32 to index
        %get3A_352 = arith.constant 32 : index
        %get3A_353 = tpu.vector_load %arg7[%get3A_351, %get3A_352] {strides = array<i32>} : memref<32x128xi32, #tpu.memory_space<vmem>>, vector<16xi32>,
        %bitcast3A_354 = vector.bitcast %get3A_353 : vector<16xi32> to vector<16xi32>
        %get3A_355 = arith.index_cast %while3A_325 : i32 to index
        %get3A_356 = arith.constant 32 : index
        %get3A_357 = tpu.vector_load %arg9[%get3A_355, %get3A_356] {strides = array<i32>} : memref<32x128xf32, #tpu.memory_space<vmem>>, vector<16xf32>,
        %gather3A_358 = tpu.vector_load_idx %arg6[%bitcast3A_354] : memref<100000xf32, #tpu.memory_space<vmem>>[vector<16xi32>], vector<16xf32>,
        %div3A_359 = arith.divf %gather3A_358, %get3A_357 : vector<16xf32>
        %add3A_360 = arith.addf %while3A_328, %div3A_359 : vector<16xf32>
        %get3A_361 = arith.index_cast %while3A_325 : i32 to index
        %get3A_362 = arith.constant 48 : index
        %get3A_363 = tpu.vector_load %arg7[%get3A_361, %get3A_362] {strides = array<i32>} : memref<32x128xi32, #tpu.memory_space<vmem>>, vector<16xi32>,
        %bitcast3A_364 = vector.bitcast %get3A_363 : vector<16xi32> to vector<16xi32>
        %get3A_365 = arith.index_cast %while3A_325 : i32 to index
        %get3A_366 = arith.constant 48 : index
        %get3A_367 = tpu.vector_load %arg9[%get3A_365, %get3A_366] {strides = array<i32>} : memref<32x128xf32, #tpu.memory_space<vmem>>, vector<16xf32>,
        %gather3A_368 = tpu.vector_load_idx %arg6[%bitcast3A_364] : memref<100000xf32, #tpu.memory_space<vmem>>[vector<16xi32>], vector<16xf32>,
        %div3A_369 = arith.divf %gather3A_368, %get3A_367 : vector<16xf32>
        %add3A_370 = arith.addf %while3A_329, %div3A_369 : vector<16xf32>
        %get3A_371 = arith.index_cast %while3A_325 : i32 to index
        %get3A_372 = arith.constant 64 : index
        %get3A_373 = tpu.vector_load %arg7[%get3A_371, %get3A_372] {strides = array<i32>} : memref<32x128xi32, #tpu.memory_space<vmem>>, vector<16xi32>,
        %bitcast3A_374 = vector.bitcast %get3A_373 : vector<16xi32> to vector<16xi32>
        %get3A_375 = arith.index_cast %while3A_325 : i32 to index
        %get3A_376 = arith.constant 64 : index
        %get3A_377 = tpu.vector_load %arg9[%get3A_375, %get3A_376] {strides = array<i32>} : memref<32x128xf32, #tpu.memory_space<vmem>>, vector<16xf32>,
        %gather3A_378 = tpu.vector_load_idx %arg6[%bitcast3A_374] : memref<100000xf32, #tpu.memory_space<vmem>>[vector<16xi32>], vector<16xf32>,
        %div3A_379 = arith.divf %gather3A_378, %get3A_377 : vector<16xf32>
        %add3A_380 = arith.addf %while3A_330, %div3A_379 : vector<16xf32>
        %get3A_381 = arith.index_cast %while3A_325 : i32 to index
        %get3A_382 = arith.constant 80 : index
        %get3A_383 = tpu.vector_load %arg7[%get3A_381, %get3A_382] {strides = array<i32>} : memref<32x128xi32, #tpu.memory_space<vmem>>, vector<16xi32>,
        %bitcast3A_384 = vector.bitcast %get3A_383 : vector<16xi32> to vector<16xi32>
        %get3A_385 = arith.index_cast %while3A_325 : i32 to index
        %get3A_386 = arith.constant 80 : index
        %get3A_387 = tpu.vector_load %arg9[%get3A_385, %get3A_386] {strides = array<i32>} : memref<32x128xf32, #tpu.memory_space<vmem>>, vector<16xf32>,
        %gather3A_388 = tpu.vector_load_idx %arg6[%bitcast3A_384] : memref<100000xf32, #tpu.memory_space<vmem>>[vector<16xi32>], vector<16xf32>,
        %div3A_389 = arith.divf %gather3A_388, %get3A_387 : vector<16xf32>
        %add3A_390 = arith.addf %while3A_331, %div3A_389 : vector<16xf32>
        %get3A_391 = arith.index_cast %while3A_325 : i32 to index
        %get3A_392 = arith.constant 96 : index
        %get3A_393 = tpu.vector_load %arg7[%get3A_391, %get3A_392] {strides = array<i32>} : memref<32x128xi32, #tpu.memory_space<vmem>>, vector<16xi32>,
        %bitcast3A_394 = vector.bitcast %get3A_393 : vector<16xi32> to vector<16xi32>
        %get3A_395 = arith.index_cast %while3A_325 : i32 to index
        %get3A_396 = arith.constant 96 : index
        %get3A_397 = tpu.vector_load %arg9[%get3A_395, %get3A_396] {strides = array<i32>} : memref<32x128xf32, #tpu.memory_space<vmem>>, vector<16xf32>,
        %gather3A_398 = tpu.vector_load_idx %arg6[%bitcast3A_394] : memref<100000xf32, #tpu.memory_space<vmem>>[vector<16xi32>], vector<16xf32>,
        %div3A_399 = arith.divf %gather3A_398, %get3A_397 : vector<16xf32>
        %add3A_400 = arith.addf %while3A_332, %div3A_399 : vector<16xf32>
        %get3A_401 = arith.index_cast %while3A_325 : i32 to index
        %get3A_402 = arith.constant 112 : index
        %get3A_403 = tpu.vector_load %arg7[%get3A_401, %get3A_402] {strides = array<i32>} : memref<32x128xi32, #tpu.memory_space<vmem>>, vector<16xi32>,
        %bitcast3A_404 = vector.bitcast %get3A_403 : vector<16xi32> to vector<16xi32>
        %get3A_405 = arith.index_cast %while3A_325 : i32 to index
        %get3A_406 = arith.constant 112 : index
        %get3A_407 = tpu.vector_load %arg9[%get3A_405, %get3A_406] {strides = array<i32>} : memref<32x128xf32, #tpu.memory_space<vmem>>, vector<16xf32>,
        %gather3A_408 = tpu.vector_load_idx %arg6[%bitcast3A_404] : memref<100000xf32, #tpu.memory_space<vmem>>[vector<16xi32>], vector<16xf32>,
        %div3A_409 = arith.divf %gather3A_408, %get3A_407 : vector<16xf32>
        %add3A_410 = arith.addf %while3A_333, %div3A_409 : vector<16xf32>
        scf.yield %add3A_340, %add3A_350, %add3A_360, %add3A_370, %add3A_380, %add3A_390, %add3A_400, %add3A_410 : vector<16xf32>, vector<16xf32>, vector<16xf32>, vector<16xf32>, vector<16xf32>, vector<16xf32>, vector<16xf32>, vector<16xf32>
      }
      %add3A_168 = arith.constant 0 : i32
      %add3A_169 = arith.addi %add3A_139, %add3A_168 : i32
      %get3A_170 = arith.index_cast %add3A_169 : i32 to index
      %get3A_171 = tpu.vector_load %arg6[%get3A_170] {strides = array<i32>} : memref<100000xf32, #tpu.memory_space<vmem>>, vector<16xf32>,
      %mul3A_172 = arith.mulf %while3A_167#0, %get3A_171 : vector<16xf32>
      %add3A_173 = arith.addf %while3A_108, %mul3A_172 : vector<16xf32>
      %add3A_174 = arith.constant 16 : i32
      %add3A_175 = arith.addi %add3A_139, %add3A_174 : i32
      %get3A_176 = arith.index_cast %add3A_175 : i32 to index
      %get3A_177 = tpu.vector_load %arg6[%get3A_176] {strides = array<i32>} : memref<100000xf32, #tpu.memory_space<vmem>>, vector<16xf32>,
      %mul3A_178 = arith.mulf %while3A_167#1, %get3A_177 : vector<16xf32>
      %add3A_179 = arith.addf %add3A_173, %mul3A_178 : vector<16xf32>
      %add3A_180 = arith.constant 32 : i32
      %add3A_181 = arith.addi %add3A_139, %add3A_180 : i32
      %get3A_182 = arith.index_cast %add3A_181 : i32 to index
      %get3A_183 = tpu.vector_load %arg6[%get3A_182] {strides = array<i32>} : memref<100000xf32, #tpu.memory_space<vmem>>, vector<16xf32>,
      %mul3A_184 = arith.mulf %while3A_167#2, %get3A_183 : vector<16xf32>
      %add3A_185 = arith.addf %add3A_179, %mul3A_184 : vector<16xf32>
      %add3A_186 = arith.constant 48 : i32
      %add3A_187 = arith.addi %add3A_139, %add3A_186 : i32
      %get3A_188 = arith.index_cast %add3A_187 : i32 to index
      %get3A_189 = tpu.vector_load %arg6[%get3A_188] {strides = array<i32>} : memref<100000xf32, #tpu.memory_space<vmem>>, vector<16xf32>,
      %mul3A_190 = arith.mulf %while3A_167#3, %get3A_189 : vector<16xf32>
      %add3A_191 = arith.addf %add3A_185, %mul3A_190 : vector<16xf32>
      %add3A_192 = arith.constant 64 : i32
      %add3A_193 = arith.addi %add3A_139, %add3A_192 : i32
      %get3A_194 = arith.index_cast %add3A_193 : i32 to index
      %get3A_195 = tpu.vector_load %arg6[%get3A_194] {strides = array<i32>} : memref<100000xf32, #tpu.memory_space<vmem>>, vector<16xf32>,
      %mul3A_196 = arith.mulf %while3A_167#4, %get3A_195 : vector<16xf32>
      %add3A_197 = arith.addf %add3A_191, %mul3A_196 : vector<16xf32>
      %add3A_198 = arith.constant 80 : i32
      %add3A_199 = arith.addi %add3A_139, %add3A_198 : i32
      %get3A_200 = arith.index_cast %add3A_199 : i32 to index
      %get3A_201 = tpu.vector_load %arg6[%get3A_200] {strides = array<i32>} : memref<100000xf32, #tpu.memory_space<vmem>>, vector<16xf32>,
      %mul3A_202 = arith.mulf %while3A_167#5, %get3A_201 : vector<16xf32>
      %add3A_203 = arith.addf %add3A_197, %mul3A_202 : vector<16xf32>
      %add3A_204 = arith.constant 96 : i32
      %add3A_205 = arith.addi %add3A_139, %add3A_204 : i32
      %get3A_206 = arith.index_cast %add3A_205 : i32 to index
      %get3A_207 = tpu.vector_load %arg6[%get3A_206] {strides = array<i32>} : memref<100000xf32, #tpu.memory_space<vmem>>, vector<16xf32>,
      %mul3A_208 = arith.mulf %while3A_167#6, %get3A_207 : vector<16xf32>
      %add3A_209 = arith.addf %add3A_203, %mul3A_208 : vector<16xf32>
      %add3A_210 = arith.constant 112 : i32
      %add3A_211 = arith.addi %add3A_139, %add3A_210 : i32
      %get3A_212 = arith.index_cast %add3A_211 : i32 to index
      %get3A_213 = tpu.vector_load %arg6[%get3A_212] {strides = array<i32>} : memref<100000xf32, #tpu.memory_space<vmem>>, vector<16xf32>,
      %mul3A_214 = arith.mulf %while3A_167#7, %get3A_213 : vector<16xf32>
      %add3A_215 = arith.addf %add3A_209, %mul3A_214 : vector<16xf32>
      %add3A_216 = arith.constant 1 : i32
      %add3A_217 = arith.addi %while3A_107, %add3A_216 : i32
      %sub3A_218 = arith.constant 1 : i32
      %sub3A_219 = arith.subi %select_n3A, %sub3A_218 : i32
      %min3A_220 = arith.minsi %add3A_217, %sub3A_219 : i32
      %mul3A_221 = arith.constant 128 : i32
      %mul3A_222 = arith.muli %min3A_220, %mul3A_221 : i32
      %add3A_223 = arith.addi %mul3A_2, %mul3A_222 : i32
      %dma_start3A_224 = arith.constant 0 : i32
      %dma_start3A_225 = tpu.memref_slice %arg3[%dma_start3A_224, %add3A_223] : memref<64x100000xi32, #tpu.memory_space<hbm>> -> memref<32x128xi32, #tpu.memory_space<hbm>>
      %dma_start3A_226 = arith.constant 0 : i32
      %dma_start3A_227 = tpu.memref_slice %arg3[%dma_start3A_226, %add3A_223] : memref<64x100000xi32, #tpu.memory_space<hbm>> -> memref<32x128xi32, #tpu.memory_space<hbm>>
      tpu.enqueue_dma source(%dma_start3A_227 : memref<32x128xi32, #tpu.memory_space<hbm>>) target(%arg7 : memref<32x128xi32, #tpu.memory_space<vmem>>) target_semaphore(%arg14 : memref<!tpu.dma_semaphore, #tpu.memory_space<semaphore_mem>>)
      %dma_start3A_228 = arith.constant 0 : i32
      %dma_start3A_229 = tpu.memref_slice %arg4[%dma_start3A_228, %add3A_223] : memref<64x100000xf32, #tpu.memory_space<hbm>> -> memref<32x128xf32, #tpu.memory_space<hbm>>
      %dma_start3A_230 = arith.constant 0 : i32
      %dma_start3A_231 = tpu.memref_slice %arg4[%dma_start3A_230, %add3A_223] : memref<64x100000xf32, #tpu.memory_space<hbm>> -> memref<32x128xf32, #tpu.memory_space<hbm>>
      tpu.enqueue_dma source(%dma_start3A_231 : memref<32x128xf32, #tpu.memory_space<hbm>>) target(%arg9 : memref<32x128xf32, #tpu.memory_space<vmem>>) target_semaphore(%arg14 : memref<!tpu.dma_semaphore, #tpu.memory_space<semaphore_mem>>)
      %sub3A_232 = arith.constant 1 : i32
      %sub3A_233 = arith.subi %select_n3A, %sub3A_232 : i32
      %min3A_234 = arith.minsi %while3A_107, %sub3A_233 : i32
      %mul3A_235 = arith.constant 128 : i32
      %mul3A_236 = arith.muli %min3A_234, %mul3A_235 : i32
      %add3A_237 = arith.addi %mul3A_2, %mul3A_236 : i32
      %dma_wait3A_238 = arith.constant 32 : i32
      %dma_wait3A_239 = tpu.memref_slice %arg3[%dma_wait3A_238, %add3A_237] : memref<64x100000xi32, #tpu.memory_space<hbm>> -> memref<32x128xi32, #tpu.memory_space<hbm>>
      %dma_wait3A_240 = arith.constant 32 : i32
      %dma_wait3A_241 = tpu.memref_slice %arg3[%dma_wait3A_240, %add3A_237] : memref<64x100000xi32, #tpu.memory_space<hbm>> -> memref<32x128xi32, #tpu.memory_space<hbm>>
      tpu.wait_dma2 semaphore(%arg15 : memref<!tpu.dma_semaphore, #tpu.memory_space<semaphore_mem>>) src(%dma_wait3A_241 : memref<32x128xi32, #tpu.memory_space<hbm>>) dst(%arg8 : memref<32x128xi32, #tpu.memory_space<vmem>>)
      %dma_wait3A_242 = arith.constant 32 : i32
      %dma_wait3A_243 = tpu.memref_slice %arg4[%dma_wait3A_242, %add3A_237] : memref<64x100000xf32, #tpu.memory_space<hbm>> -> memref<32x128xf32, #tpu.memory_space<hbm>>
      %dma_wait3A_244 = arith.constant 32 : i32
      %dma_wait3A_245 = tpu.memref_slice %arg4[%dma_wait3A_244, %add3A_237] : memref<64x100000xf32, #tpu.memory_space<hbm>> -> memref<32x128xf32, #tpu.memory_space<hbm>>
      tpu.wait_dma2 semaphore(%arg15 : memref<!tpu.dma_semaphore, #tpu.memory_space<semaphore_mem>>) src(%dma_wait3A_245 : memref<32x128xf32, #tpu.memory_space<hbm>>) dst(%arg10 : memref<32x128xf32, #tpu.memory_space<vmem>>)
      %mul3A_246 = arith.constant 128 : i32
      %mul3A_247 = arith.muli %while3A_107, %mul3A_246 : i32
      %add3A_248 = arith.addi %mul3A_2, %mul3A_247 : i32
      %broadcast_in_dim3A_249 = arith.constant 0.000000e+00 : f32
      %broadcast_in_dim3A_250 = vector.broadcast %broadcast_in_dim3A_249 : f32 to vector<16xf32>
      %broadcast_in_dim3A_251 = arith.constant 0.000000e+00 : f32
      %broadcast_in_dim3A_252 = vector.broadcast %broadcast_in_dim3A_251 : f32 to vector<16xf32>
      %broadcast_in_dim3A_253 = arith.constant 0.000000e+00 : f32
      %broadcast_in_dim3A_254 = vector.broadcast %broadcast_in_dim3A_253 : f32 to vector<16xf32>
      %broadcast_in_dim3A_255 = arith.constant 0.000000e+00 : f32
      %broadcast_in_dim3A_256 = vector.broadcast %broadcast_in_dim3A_255 : f32 to vector<16xf32>
      %broadcast_in_dim3A_257 = arith.constant 0.000000e+00 : f32
      %broadcast_in_dim3A_258 = vector.broadcast %broadcast_in_dim3A_257 : f32 to vector<16xf32>
      %broadcast_in_dim3A_259 = arith.constant 0.000000e+00 : f32
      %broadcast_in_dim3A_260 = vector.broadcast %broadcast_in_dim3A_259 : f32 to vector<16xf32>
      %broadcast_in_dim3A_261 = arith.constant 0.000000e+00 : f32
      %broadcast_in_dim3A_262 = vector.broadcast %broadcast_in_dim3A_261 : f32 to vector<16xf32>
      %broadcast_in_dim3A_263 = arith.constant 0.000000e+00 : f32
      %broadcast_in_dim3A_264 = vector.broadcast %broadcast_in_dim3A_263 : f32 to vector<16xf32>
      %while3A_265 = arith.constant 0 : i32
      %while3A_266 = arith.constant 32 : i32
      %while3A_267 = arith.subi %while3A_266, %while3A_265 : i32
      %while3A_268 = arith.addi %while3A_265, %while3A_267 : i32
      %while3A_269 = arith.constant 1 : i32
      %while3A_270 = arith.divsi %while3A_267, %while3A_269 : i32
      %while3A_271 = arith.muli %while3A_270, %while3A_269 : i32
      %while3A_272 = arith.addi %while3A_265, %while3A_271 : i32
      %while3A_273 = arith.constant 1 : i32
      %while3A_274:8 = scf.for %while3A_325 = %while3A_265 to %while3A_272 step %while3A_273 iter_args(%while3A_326 = %broadcast_in_dim3A_250, %while3A_327 = %broadcast_in_dim3A_252, %while3A_328 = %broadcast_in_dim3A_254, %while3A_329 = %broadcast_in_dim3A_256, %while3A_330 = %broadcast_in_dim3A_258, %while3A_331 = %broadcast_in_dim3A_260, %while3A_332 = %broadcast_in_dim3A_262, %while3A_333 = %broadcast_in_dim3A_264) -> (vector<16xf32>, vector<16xf32>, vector<16xf32>, vector<16xf32>, vector<16xf32>, vector<16xf32>, vector<16xf32>, vector<16xf32>)  : i32 {
        %get3A_334 = arith.index_cast %while3A_325 : i32 to index
        %get3A_335 = arith.constant 0 : index
        %get3A_336 = tpu.vector_load %arg8[%get3A_334, %get3A_335] {strides = array<i32>} : memref<32x128xi32, #tpu.memory_space<vmem>>, vector<16xi32>,
        %bitcast3A = vector.bitcast %get3A_336 : vector<16xi32> to vector<16xi32>
        %get3A_337 = arith.index_cast %while3A_325 : i32 to index
        %get3A_338 = arith.constant 0 : index
        %get3A_339 = tpu.vector_load %arg10[%get3A_337, %get3A_338] {strides = array<i32>} : memref<32x128xf32, #tpu.memory_space<vmem>>, vector<16xf32>,
        %gather3A = tpu.vector_load_idx %arg6[%bitcast3A] : memref<100000xf32, #tpu.memory_space<vmem>>[vector<16xi32>], vector<16xf32>,
        %div3A = arith.divf %gather3A, %get3A_339 : vector<16xf32>
        %add3A_340 = arith.addf %while3A_326, %div3A : vector<16xf32>
        %get3A_341 = arith.index_cast %while3A_325 : i32 to index
        %get3A_342 = arith.constant 16 : index
        %get3A_343 = tpu.vector_load %arg8[%get3A_341, %get3A_342] {strides = array<i32>} : memref<32x128xi32, #tpu.memory_space<vmem>>, vector<16xi32>,
        %bitcast3A_344 = vector.bitcast %get3A_343 : vector<16xi32> to vector<16xi32>
        %get3A_345 = arith.index_cast %while3A_325 : i32 to index
        %get3A_346 = arith.constant 16 : index
        %get3A_347 = tpu.vector_load %arg10[%get3A_345, %get3A_346] {strides = array<i32>} : memref<32x128xf32, #tpu.memory_space<vmem>>, vector<16xf32>,
        %gather3A_348 = tpu.vector_load_idx %arg6[%bitcast3A_344] : memref<100000xf32, #tpu.memory_space<vmem>>[vector<16xi32>], vector<16xf32>,
        %div3A_349 = arith.divf %gather3A_348, %get3A_347 : vector<16xf32>
        %add3A_350 = arith.addf %while3A_327, %div3A_349 : vector<16xf32>
        %get3A_351 = arith.index_cast %while3A_325 : i32 to index
        %get3A_352 = arith.constant 32 : index
        %get3A_353 = tpu.vector_load %arg8[%get3A_351, %get3A_352] {strides = array<i32>} : memref<32x128xi32, #tpu.memory_space<vmem>>, vector<16xi32>,
        %bitcast3A_354 = vector.bitcast %get3A_353 : vector<16xi32> to vector<16xi32>
        %get3A_355 = arith.index_cast %while3A_325 : i32 to index
        %get3A_356 = arith.constant 32 : index
        %get3A_357 = tpu.vector_load %arg10[%get3A_355, %get3A_356] {strides = array<i32>} : memref<32x128xf32, #tpu.memory_space<vmem>>, vector<16xf32>,
        %gather3A_358 = tpu.vector_load_idx %arg6[%bitcast3A_354] : memref<100000xf32, #tpu.memory_space<vmem>>[vector<16xi32>], vector<16xf32>,
        %div3A_359 = arith.divf %gather3A_358, %get3A_357 : vector<16xf32>
        %add3A_360 = arith.addf %while3A_328, %div3A_359 : vector<16xf32>
        %get3A_361 = arith.index_cast %while3A_325 : i32 to index
        %get3A_362 = arith.constant 48 : index
        %get3A_363 = tpu.vector_load %arg8[%get3A_361, %get3A_362] {strides = array<i32>} : memref<32x128xi32, #tpu.memory_space<vmem>>, vector<16xi32>,
        %bitcast3A_364 = vector.bitcast %get3A_363 : vector<16xi32> to vector<16xi32>
        %get3A_365 = arith.index_cast %while3A_325 : i32 to index
        %get3A_366 = arith.constant 48 : index
        %get3A_367 = tpu.vector_load %arg10[%get3A_365, %get3A_366] {strides = array<i32>} : memref<32x128xf32, #tpu.memory_space<vmem>>, vector<16xf32>,
        %gather3A_368 = tpu.vector_load_idx %arg6[%bitcast3A_364] : memref<100000xf32, #tpu.memory_space<vmem>>[vector<16xi32>], vector<16xf32>,
        %div3A_369 = arith.divf %gather3A_368, %get3A_367 : vector<16xf32>
        %add3A_370 = arith.addf %while3A_329, %div3A_369 : vector<16xf32>
        %get3A_371 = arith.index_cast %while3A_325 : i32 to index
        %get3A_372 = arith.constant 64 : index
        %get3A_373 = tpu.vector_load %arg8[%get3A_371, %get3A_372] {strides = array<i32>} : memref<32x128xi32, #tpu.memory_space<vmem>>, vector<16xi32>,
        %bitcast3A_374 = vector.bitcast %get3A_373 : vector<16xi32> to vector<16xi32>
        %get3A_375 = arith.index_cast %while3A_325 : i32 to index
        %get3A_376 = arith.constant 64 : index
        %get3A_377 = tpu.vector_load %arg10[%get3A_375, %get3A_376] {strides = array<i32>} : memref<32x128xf32, #tpu.memory_space<vmem>>, vector<16xf32>,
        %gather3A_378 = tpu.vector_load_idx %arg6[%bitcast3A_374] : memref<100000xf32, #tpu.memory_space<vmem>>[vector<16xi32>], vector<16xf32>,
        %div3A_379 = arith.divf %gather3A_378, %get3A_377 : vector<16xf32>
        %add3A_380 = arith.addf %while3A_330, %div3A_379 : vector<16xf32>
        %get3A_381 = arith.index_cast %while3A_325 : i32 to index
        %get3A_382 = arith.constant 80 : index
        %get3A_383 = tpu.vector_load %arg8[%get3A_381, %get3A_382] {strides = array<i32>} : memref<32x128xi32, #tpu.memory_space<vmem>>, vector<16xi32>,
        %bitcast3A_384 = vector.bitcast %get3A_383 : vector<16xi32> to vector<16xi32>
        %get3A_385 = arith.index_cast %while3A_325 : i32 to index
        %get3A_386 = arith.constant 80 : index
        %get3A_387 = tpu.vector_load %arg10[%get3A_385, %get3A_386] {strides = array<i32>} : memref<32x128xf32, #tpu.memory_space<vmem>>, vector<16xf32>,
        %gather3A_388 = tpu.vector_load_idx %arg6[%bitcast3A_384] : memref<100000xf32, #tpu.memory_space<vmem>>[vector<16xi32>], vector<16xf32>,
        %div3A_389 = arith.divf %gather3A_388, %get3A_387 : vector<16xf32>
        %add3A_390 = arith.addf %while3A_331, %div3A_389 : vector<16xf32>
        %get3A_391 = arith.index_cast %while3A_325 : i32 to index
        %get3A_392 = arith.constant 96 : index
        %get3A_393 = tpu.vector_load %arg8[%get3A_391, %get3A_392] {strides = array<i32>} : memref<32x128xi32, #tpu.memory_space<vmem>>, vector<16xi32>,
        %bitcast3A_394 = vector.bitcast %get3A_393 : vector<16xi32> to vector<16xi32>
        %get3A_395 = arith.index_cast %while3A_325 : i32 to index
        %get3A_396 = arith.constant 96 : index
        %get3A_397 = tpu.vector_load %arg10[%get3A_395, %get3A_396] {strides = array<i32>} : memref<32x128xf32, #tpu.memory_space<vmem>>, vector<16xf32>,
        %gather3A_398 = tpu.vector_load_idx %arg6[%bitcast3A_394] : memref<100000xf32, #tpu.memory_space<vmem>>[vector<16xi32>], vector<16xf32>,
        %div3A_399 = arith.divf %gather3A_398, %get3A_397 : vector<16xf32>
        %add3A_400 = arith.addf %while3A_332, %div3A_399 : vector<16xf32>
        %get3A_401 = arith.index_cast %while3A_325 : i32 to index
        %get3A_402 = arith.constant 112 : index
        %get3A_403 = tpu.vector_load %arg8[%get3A_401, %get3A_402] {strides = array<i32>} : memref<32x128xi32, #tpu.memory_space<vmem>>, vector<16xi32>,
        %bitcast3A_404 = vector.bitcast %get3A_403 : vector<16xi32> to vector<16xi32>
        %get3A_405 = arith.index_cast %while3A_325 : i32 to index
        %get3A_406 = arith.constant 112 : index
        %get3A_407 = tpu.vector_load %arg10[%get3A_405, %get3A_406] {strides = array<i32>} : memref<32x128xf32, #tpu.memory_space<vmem>>, vector<16xf32>,
        %gather3A_408 = tpu.vector_load_idx %arg6[%bitcast3A_404] : memref<100000xf32, #tpu.memory_space<vmem>>[vector<16xi32>], vector<16xf32>,
        %div3A_409 = arith.divf %gather3A_408, %get3A_407 : vector<16xf32>
        %add3A_410 = arith.addf %while3A_333, %div3A_409 : vector<16xf32>
        scf.yield %add3A_340, %add3A_350, %add3A_360, %add3A_370, %add3A_380, %add3A_390, %add3A_400, %add3A_410 : vector<16xf32>, vector<16xf32>, vector<16xf32>, vector<16xf32>, vector<16xf32>, vector<16xf32>, vector<16xf32>, vector<16xf32>
      }
      %while3A_275 = arith.constant 1 : i32
      %while3A_276:8 = scf.for %while3A_325 = %while3A_272 to %while3A_268 step %while3A_275 iter_args(%while3A_326 = %while3A_274#0, %while3A_327 = %while3A_274#1, %while3A_328 = %while3A_274#2, %while3A_329 = %while3A_274#3, %while3A_330 = %while3A_274#4, %while3A_331 = %while3A_274#5, %while3A_332 = %while3A_274#6, %while3A_333 = %while3A_274#7) -> (vector<16xf32>, vector<16xf32>, vector<16xf32>, vector<16xf32>, vector<16xf32>, vector<16xf32>, vector<16xf32>, vector<16xf32>)  : i32 {
        %get3A_334 = arith.index_cast %while3A_325 : i32 to index
        %get3A_335 = arith.constant 0 : index
        %get3A_336 = tpu.vector_load %arg8[%get3A_334, %get3A_335] {strides = array<i32>} : memref<32x128xi32, #tpu.memory_space<vmem>>, vector<16xi32>,
        %bitcast3A = vector.bitcast %get3A_336 : vector<16xi32> to vector<16xi32>
        %get3A_337 = arith.index_cast %while3A_325 : i32 to index
        %get3A_338 = arith.constant 0 : index
        %get3A_339 = tpu.vector_load %arg10[%get3A_337, %get3A_338] {strides = array<i32>} : memref<32x128xf32, #tpu.memory_space<vmem>>, vector<16xf32>,
        %gather3A = tpu.vector_load_idx %arg6[%bitcast3A] : memref<100000xf32, #tpu.memory_space<vmem>>[vector<16xi32>], vector<16xf32>,
        %div3A = arith.divf %gather3A, %get3A_339 : vector<16xf32>
        %add3A_340 = arith.addf %while3A_326, %div3A : vector<16xf32>
        %get3A_341 = arith.index_cast %while3A_325 : i32 to index
        %get3A_342 = arith.constant 16 : index
        %get3A_343 = tpu.vector_load %arg8[%get3A_341, %get3A_342] {strides = array<i32>} : memref<32x128xi32, #tpu.memory_space<vmem>>, vector<16xi32>,
        %bitcast3A_344 = vector.bitcast %get3A_343 : vector<16xi32> to vector<16xi32>
        %get3A_345 = arith.index_cast %while3A_325 : i32 to index
        %get3A_346 = arith.constant 16 : index
        %get3A_347 = tpu.vector_load %arg10[%get3A_345, %get3A_346] {strides = array<i32>} : memref<32x128xf32, #tpu.memory_space<vmem>>, vector<16xf32>,
        %gather3A_348 = tpu.vector_load_idx %arg6[%bitcast3A_344] : memref<100000xf32, #tpu.memory_space<vmem>>[vector<16xi32>], vector<16xf32>,
        %div3A_349 = arith.divf %gather3A_348, %get3A_347 : vector<16xf32>
        %add3A_350 = arith.addf %while3A_327, %div3A_349 : vector<16xf32>
        %get3A_351 = arith.index_cast %while3A_325 : i32 to index
        %get3A_352 = arith.constant 32 : index
        %get3A_353 = tpu.vector_load %arg8[%get3A_351, %get3A_352] {strides = array<i32>} : memref<32x128xi32, #tpu.memory_space<vmem>>, vector<16xi32>,
        %bitcast3A_354 = vector.bitcast %get3A_353 : vector<16xi32> to vector<16xi32>
        %get3A_355 = arith.index_cast %while3A_325 : i32 to index
        %get3A_356 = arith.constant 32 : index
        %get3A_357 = tpu.vector_load %arg10[%get3A_355, %get3A_356] {strides = array<i32>} : memref<32x128xf32, #tpu.memory_space<vmem>>, vector<16xf32>,
        %gather3A_358 = tpu.vector_load_idx %arg6[%bitcast3A_354] : memref<100000xf32, #tpu.memory_space<vmem>>[vector<16xi32>], vector<16xf32>,
        %div3A_359 = arith.divf %gather3A_358, %get3A_357 : vector<16xf32>
        %add3A_360 = arith.addf %while3A_328, %div3A_359 : vector<16xf32>
        %get3A_361 = arith.index_cast %while3A_325 : i32 to index
        %get3A_362 = arith.constant 48 : index
        %get3A_363 = tpu.vector_load %arg8[%get3A_361, %get3A_362] {strides = array<i32>} : memref<32x128xi32, #tpu.memory_space<vmem>>, vector<16xi32>,
        %bitcast3A_364 = vector.bitcast %get3A_363 : vector<16xi32> to vector<16xi32>
        %get3A_365 = arith.index_cast %while3A_325 : i32 to index
        %get3A_366 = arith.constant 48 : index
        %get3A_367 = tpu.vector_load %arg10[%get3A_365, %get3A_366] {strides = array<i32>} : memref<32x128xf32, #tpu.memory_space<vmem>>, vector<16xf32>,
        %gather3A_368 = tpu.vector_load_idx %arg6[%bitcast3A_364] : memref<100000xf32, #tpu.memory_space<vmem>>[vector<16xi32>], vector<16xf32>,
        %div3A_369 = arith.divf %gather3A_368, %get3A_367 : vector<16xf32>
        %add3A_370 = arith.addf %while3A_329, %div3A_369 : vector<16xf32>
        %get3A_371 = arith.index_cast %while3A_325 : i32 to index
        %get3A_372 = arith.constant 64 : index
        %get3A_373 = tpu.vector_load %arg8[%get3A_371, %get3A_372] {strides = array<i32>} : memref<32x128xi32, #tpu.memory_space<vmem>>, vector<16xi32>,
        %bitcast3A_374 = vector.bitcast %get3A_373 : vector<16xi32> to vector<16xi32>
        %get3A_375 = arith.index_cast %while3A_325 : i32 to index
        %get3A_376 = arith.constant 64 : index
        %get3A_377 = tpu.vector_load %arg10[%get3A_375, %get3A_376] {strides = array<i32>} : memref<32x128xf32, #tpu.memory_space<vmem>>, vector<16xf32>,
        %gather3A_378 = tpu.vector_load_idx %arg6[%bitcast3A_374] : memref<100000xf32, #tpu.memory_space<vmem>>[vector<16xi32>], vector<16xf32>,
        %div3A_379 = arith.divf %gather3A_378, %get3A_377 : vector<16xf32>
        %add3A_380 = arith.addf %while3A_330, %div3A_379 : vector<16xf32>
        %get3A_381 = arith.index_cast %while3A_325 : i32 to index
        %get3A_382 = arith.constant 80 : index
        %get3A_383 = tpu.vector_load %arg8[%get3A_381, %get3A_382] {strides = array<i32>} : memref<32x128xi32, #tpu.memory_space<vmem>>, vector<16xi32>,
        %bitcast3A_384 = vector.bitcast %get3A_383 : vector<16xi32> to vector<16xi32>
        %get3A_385 = arith.index_cast %while3A_325 : i32 to index
        %get3A_386 = arith.constant 80 : index
        %get3A_387 = tpu.vector_load %arg10[%get3A_385, %get3A_386] {strides = array<i32>} : memref<32x128xf32, #tpu.memory_space<vmem>>, vector<16xf32>,
        %gather3A_388 = tpu.vector_load_idx %arg6[%bitcast3A_384] : memref<100000xf32, #tpu.memory_space<vmem>>[vector<16xi32>], vector<16xf32>,
        %div3A_389 = arith.divf %gather3A_388, %get3A_387 : vector<16xf32>
        %add3A_390 = arith.addf %while3A_331, %div3A_389 : vector<16xf32>
        %get3A_391 = arith.index_cast %while3A_325 : i32 to index
        %get3A_392 = arith.constant 96 : index
        %get3A_393 = tpu.vector_load %arg8[%get3A_391, %get3A_392] {strides = array<i32>} : memref<32x128xi32, #tpu.memory_space<vmem>>, vector<16xi32>,
        %bitcast3A_394 = vector.bitcast %get3A_393 : vector<16xi32> to vector<16xi32>
        %get3A_395 = arith.index_cast %while3A_325 : i32 to index
        %get3A_396 = arith.constant 96 : index
        %get3A_397 = tpu.vector_load %arg10[%get3A_395, %get3A_396] {strides = array<i32>} : memref<32x128xf32, #tpu.memory_space<vmem>>, vector<16xf32>,
        %gather3A_398 = tpu.vector_load_idx %arg6[%bitcast3A_394] : memref<100000xf32, #tpu.memory_space<vmem>>[vector<16xi32>], vector<16xf32>,
        %div3A_399 = arith.divf %gather3A_398, %get3A_397 : vector<16xf32>
        %add3A_400 = arith.addf %while3A_332, %div3A_399 : vector<16xf32>
        %get3A_401 = arith.index_cast %while3A_325 : i32 to index
        %get3A_402 = arith.constant 112 : index
        %get3A_403 = tpu.vector_load %arg8[%get3A_401, %get3A_402] {strides = array<i32>} : memref<32x128xi32, #tpu.memory_space<vmem>>, vector<16xi32>,
        %bitcast3A_404 = vector.bitcast %get3A_403 : vector<16xi32> to vector<16xi32>
        %get3A_405 = arith.index_cast %while3A_325 : i32 to index
        %get3A_406 = arith.constant 112 : index
        %get3A_407 = tpu.vector_load %arg10[%get3A_405, %get3A_406] {strides = array<i32>} : memref<32x128xf32, #tpu.memory_space<vmem>>, vector<16xf32>,
        %gather3A_408 = tpu.vector_load_idx %arg6[%bitcast3A_404] : memref<100000xf32, #tpu.memory_space<vmem>>[vector<16xi32>], vector<16xf32>,
        %div3A_409 = arith.divf %gather3A_408, %get3A_407 : vector<16xf32>
        %add3A_410 = arith.addf %while3A_333, %div3A_409 : vector<16xf32>
        scf.yield %add3A_340, %add3A_350, %add3A_360, %add3A_370, %add3A_380, %add3A_390, %add3A_400, %add3A_410 : vector<16xf32>, vector<16xf32>, vector<16xf32>, vector<16xf32>, vector<16xf32>, vector<16xf32>, vector<16xf32>, vector<16xf32>
      }
      %add3A_277 = arith.constant 0 : i32
      %add3A_278 = arith.addi %add3A_248, %add3A_277 : i32
      %get3A_279 = arith.index_cast %add3A_278 : i32 to index
      %get3A_280 = tpu.vector_load %arg6[%get3A_279] {strides = array<i32>} : memref<100000xf32, #tpu.memory_space<vmem>>, vector<16xf32>,
      %mul3A_281 = arith.mulf %while3A_276#0, %get3A_280 : vector<16xf32>
      %add3A_282 = arith.addf %add3A_215, %mul3A_281 : vector<16xf32>
      %add3A_283 = arith.constant 16 : i32
      %add3A_284 = arith.addi %add3A_248, %add3A_283 : i32
      %get3A_285 = arith.index_cast %add3A_284 : i32 to index
      %get3A_286 = tpu.vector_load %arg6[%get3A_285] {strides = array<i32>} : memref<100000xf32, #tpu.memory_space<vmem>>, vector<16xf32>,
      %mul3A_287 = arith.mulf %while3A_276#1, %get3A_286 : vector<16xf32>
      %add3A_288 = arith.addf %add3A_282, %mul3A_287 : vector<16xf32>
      %add3A_289 = arith.constant 32 : i32
      %add3A_290 = arith.addi %add3A_248, %add3A_289 : i32
      %get3A_291 = arith.index_cast %add3A_290 : i32 to index
      %get3A_292 = tpu.vector_load %arg6[%get3A_291] {strides = array<i32>} : memref<100000xf32, #tpu.memory_space<vmem>>, vector<16xf32>,
      %mul3A_293 = arith.mulf %while3A_276#2, %get3A_292 : vector<16xf32>
      %add3A_294 = arith.addf %add3A_288, %mul3A_293 : vector<16xf32>
      %add3A_295 = arith.constant 48 : i32
      %add3A_296 = arith.addi %add3A_248, %add3A_295 : i32
      %get3A_297 = arith.index_cast %add3A_296 : i32 to index
      %get3A_298 = tpu.vector_load %arg6[%get3A_297] {strides = array<i32>} : memref<100000xf32, #tpu.memory_space<vmem>>, vector<16xf32>,
      %mul3A_299 = arith.mulf %while3A_276#3, %get3A_298 : vector<16xf32>
      %add3A_300 = arith.addf %add3A_294, %mul3A_299 : vector<16xf32>
      %add3A_301 = arith.constant 64 : i32
      %add3A_302 = arith.addi %add3A_248, %add3A_301 : i32
      %get3A_303 = arith.index_cast %add3A_302 : i32 to index
      %get3A_304 = tpu.vector_load %arg6[%get3A_303] {strides = array<i32>} : memref<100000xf32, #tpu.memory_space<vmem>>, vector<16xf32>,
      %mul3A_305 = arith.mulf %while3A_276#4, %get3A_304 : vector<16xf32>
      %add3A_306 = arith.addf %add3A_300, %mul3A_305 : vector<16xf32>
      %add3A_307 = arith.constant 80 : i32
      %add3A_308 = arith.addi %add3A_248, %add3A_307 : i32
      %get3A_309 = arith.index_cast %add3A_308 : i32 to index
      %get3A_310 = tpu.vector_load %arg6[%get3A_309] {strides = array<i32>} : memref<100000xf32, #tpu.memory_space<vmem>>, vector<16xf32>,
      %mul3A_311 = arith.mulf %while3A_276#5, %get3A_310 : vector<16xf32>
      %add3A_312 = arith.addf %add3A_306, %mul3A_311 : vector<16xf32>
      %add3A_313 = arith.constant 96 : i32
      %add3A_314 = arith.addi %add3A_248, %add3A_313 : i32
      %get3A_315 = arith.index_cast %add3A_314 : i32 to index
      %get3A_316 = tpu.vector_load %arg6[%get3A_315] {strides = array<i32>} : memref<100000xf32, #tpu.memory_space<vmem>>, vector<16xf32>,
      %mul3A_317 = arith.mulf %while3A_276#6, %get3A_316 : vector<16xf32>
      %add3A_318 = arith.addf %add3A_312, %mul3A_317 : vector<16xf32>
      %add3A_319 = arith.constant 112 : i32
      %add3A_320 = arith.addi %add3A_248, %add3A_319 : i32
      %get3A_321 = arith.index_cast %add3A_320 : i32 to index
      %get3A_322 = tpu.vector_load %arg6[%get3A_321] {strides = array<i32>} : memref<100000xf32, #tpu.memory_space<vmem>>, vector<16xf32>,
      %mul3A_323 = arith.mulf %while3A_276#7, %get3A_322 : vector<16xf32>
      %add3A_324 = arith.addf %add3A_318, %mul3A_323 : vector<16xf32>
      scf.yield %add3A_324 : vector<16xf32>
    }
    %sub3A_41 = arith.constant 1 : i32
    %sub3A_42 = arith.subi %select_n3A, %sub3A_41 : i32
    %sub3A_43 = arith.constant 1 : i32
    %sub3A_44 = arith.subi %select_n3A, %sub3A_43 : i32
    %min3A_45 = arith.minsi %sub3A_42, %sub3A_44 : i32
    %mul3A_46 = arith.constant 128 : i32
    %mul3A_47 = arith.muli %min3A_45, %mul3A_46 : i32
    %add3A_48 = arith.addi %mul3A_2, %mul3A_47 : i32
    %dma_wait3A_49 = arith.constant 0 : i32
    %dma_wait3A_50 = tpu.memref_slice %arg3[%dma_wait3A_49, %add3A_48] : memref<64x100000xi32, #tpu.memory_space<hbm>> -> memref<32x128xi32, #tpu.memory_space<hbm>>
    %dma_wait3A_51 = arith.constant 0 : i32
    %dma_wait3A_52 = tpu.memref_slice %arg3[%dma_wait3A_51, %add3A_48] : memref<64x100000xi32, #tpu.memory_space<hbm>> -> memref<32x128xi32, #tpu.memory_space<hbm>>
    tpu.wait_dma2 semaphore(%arg14 : memref<!tpu.dma_semaphore, #tpu.memory_space<semaphore_mem>>) src(%dma_wait3A_52 : memref<32x128xi32, #tpu.memory_space<hbm>>) dst(%arg7 : memref<32x128xi32, #tpu.memory_space<vmem>>)
    %dma_wait3A_53 = arith.constant 0 : i32
    %dma_wait3A_54 = tpu.memref_slice %arg4[%dma_wait3A_53, %add3A_48] : memref<64x100000xf32, #tpu.memory_space<hbm>> -> memref<32x128xf32, #tpu.memory_space<hbm>>
    %dma_wait3A_55 = arith.constant 0 : i32
    %dma_wait3A_56 = tpu.memref_slice %arg4[%dma_wait3A_55, %add3A_48] : memref<64x100000xf32, #tpu.memory_space<hbm>> -> memref<32x128xf32, #tpu.memory_space<hbm>>
    tpu.wait_dma2 semaphore(%arg14 : memref<!tpu.dma_semaphore, #tpu.memory_space<semaphore_mem>>) src(%dma_wait3A_56 : memref<32x128xf32, #tpu.memory_space<hbm>>) dst(%arg9 : memref<32x128xf32, #tpu.memory_space<vmem>>)
    %broadcast_in_dim3A_57 = arith.constant 0.000000e+00 : f32
    %broadcast_in_dim3A_58 = vector.broadcast %broadcast_in_dim3A_57 : f32 to vector<16xf32>
    %broadcast_in_dim3A_59 = arith.constant 0.000000e+00 : f32
    %broadcast_in_dim3A_60 = vector.broadcast %broadcast_in_dim3A_59 : f32 to vector<16xf32>
    %run_scoped3A = arith.constant 99968 : i32
    "tpu.region"() ({
      %run_scoped3A_107 = tpu.sem_alloc : memref<!tpu.dma_semaphore, #tpu.memory_space<semaphore_mem>>
      %dma_start3A_108 = arith.constant 0 : i32
      %dma_start3A_109 = tpu.memref_slice %arg3[%dma_start3A_108, %run_scoped3A] : memref<64x100000xi32, #tpu.memory_space<hbm>> -> memref<32x32xi32, #tpu.memory_space<hbm>>
      %dma_start3A_110 = arith.constant 0 : i32
      %dma_start3A_111 = tpu.memref_slice %arg3[%dma_start3A_110, %run_scoped3A] : memref<64x100000xi32, #tpu.memory_space<hbm>> -> memref<32x32xi32, #tpu.memory_space<hbm>>
      tpu.enqueue_dma source(%dma_start3A_111 : memref<32x32xi32, #tpu.memory_space<hbm>>) target(%arg11 : memref<32x32xi32, #tpu.memory_space<vmem>>) target_semaphore(%run_scoped3A_107 : memref<!tpu.dma_semaphore, #tpu.memory_space<semaphore_mem>>)
      %dma_wait3A_112 = arith.constant 0 : i32
      %dma_wait3A_113 = tpu.memref_slice %arg3[%dma_wait3A_112, %run_scoped3A] : memref<64x100000xi32, #tpu.memory_space<hbm>> -> memref<32x32xi32, #tpu.memory_space<hbm>>
      %dma_wait3A_114 = arith.constant 0 : i32
      %dma_wait3A_115 = tpu.memref_slice %arg3[%dma_wait3A_114, %run_scoped3A] : memref<64x100000xi32, #tpu.memory_space<hbm>> -> memref<32x32xi32, #tpu.memory_space<hbm>>
      tpu.wait_dma2 semaphore(%run_scoped3A_107 : memref<!tpu.dma_semaphore, #tpu.memory_space<semaphore_mem>>) src(%dma_wait3A_115 : memref<32x32xi32, #tpu.memory_space<hbm>>) dst(%arg11 : memref<32x32xi32, #tpu.memory_space<vmem>>)
      tpu.yield
    }) : () -> ()
    %run_scoped3A_61 = arith.constant 99968 : i32
    "tpu.region"() ({
      %run_scoped3A_107 = tpu.sem_alloc : memref<!tpu.dma_semaphore, #tpu.memory_space<semaphore_mem>>
      %dma_start3A_108 = arith.constant 0 : i32
      %dma_start3A_109 = tpu.memref_slice %arg4[%dma_start3A_108, %run_scoped3A_61] : memref<64x100000xf32, #tpu.memory_space<hbm>> -> memref<32x32xf32, #tpu.memory_space<hbm>>
      %dma_start3A_110 = arith.constant 0 : i32
      %dma_start3A_111 = tpu.memref_slice %arg4[%dma_start3A_110, %run_scoped3A_61] : memref<64x100000xf32, #tpu.memory_space<hbm>> -> memref<32x32xf32, #tpu.memory_space<hbm>>
      tpu.enqueue_dma source(%dma_start3A_111 : memref<32x32xf32, #tpu.memory_space<hbm>>) target(%arg12 : memref<32x32xf32, #tpu.memory_space<vmem>>) target_semaphore(%run_scoped3A_107 : memref<!tpu.dma_semaphore, #tpu.memory_space<semaphore_mem>>)
      %dma_wait3A_112 = arith.constant 0 : i32
      %dma_wait3A_113 = tpu.memref_slice %arg4[%dma_wait3A_112, %run_scoped3A_61] : memref<64x100000xf32, #tpu.memory_space<hbm>> -> memref<32x32xf32, #tpu.memory_space<hbm>>
      %dma_wait3A_114 = arith.constant 0 : i32
      %dma_wait3A_115 = tpu.memref_slice %arg4[%dma_wait3A_114, %run_scoped3A_61] : memref<64x100000xf32, #tpu.memory_space<hbm>> -> memref<32x32xf32, #tpu.memory_space<hbm>>
      tpu.wait_dma2 semaphore(%run_scoped3A_107 : memref<!tpu.dma_semaphore, #tpu.memory_space<semaphore_mem>>) src(%dma_wait3A_115 : memref<32x32xf32, #tpu.memory_space<hbm>>) dst(%arg12 : memref<32x32xf32, #tpu.memory_space<vmem>>)
      tpu.yield
    }) : () -> ()
    %while3A_62 = arith.constant 0 : i32
    %while3A_63 = arith.constant 32 : i32
    %while3A_64 = arith.subi %while3A_63, %while3A_62 : i32
    %while3A_65 = arith.addi %while3A_62, %while3A_64 : i32
    %while3A_66 = arith.constant 1 : i32
    %while3A_67 = arith.divsi %while3A_64, %while3A_66 : i32
    %while3A_68 = arith.muli %while3A_67, %while3A_66 : i32
    %while3A_69 = arith.addi %while3A_62, %while3A_68 : i32
    %while3A_70 = arith.constant 1 : i32
    %while3A_71:2 = scf.for %while3A_107 = %while3A_62 to %while3A_69 step %while3A_70 iter_args(%while3A_108 = %broadcast_in_dim3A_58, %while3A_109 = %broadcast_in_dim3A_60) -> (vector<16xf32>, vector<16xf32>)  : i32 {
      %get3A_110 = arith.index_cast %while3A_107 : i32 to index
      %get3A_111 = arith.constant 0 : index
      %get3A_112 = tpu.vector_load %arg11[%get3A_110, %get3A_111] {strides = array<i32>} : memref<32x32xi32, #tpu.memory_space<vmem>>, vector<16xi32>,
      %bitcast3A = vector.bitcast %get3A_112 : vector<16xi32> to vector<16xi32>
      %get3A_113 = arith.index_cast %while3A_107 : i32 to index
      %get3A_114 = arith.constant 0 : index
      %get3A_115 = tpu.vector_load %arg12[%get3A_113, %get3A_114] {strides = array<i32>} : memref<32x32xf32, #tpu.memory_space<vmem>>, vector<16xf32>,
      %gather3A = tpu.vector_load_idx %arg6[%bitcast3A] : memref<100000xf32, #tpu.memory_space<vmem>>[vector<16xi32>], vector<16xf32>,
      %div3A = arith.divf %gather3A, %get3A_115 : vector<16xf32>
      %add3A_116 = arith.addf %while3A_108, %div3A : vector<16xf32>
      %get3A_117 = arith.index_cast %while3A_107 : i32 to index
      %get3A_118 = arith.constant 16 : index
      %get3A_119 = tpu.vector_load %arg11[%get3A_117, %get3A_118] {strides = array<i32>} : memref<32x32xi32, #tpu.memory_space<vmem>>, vector<16xi32>,
      %bitcast3A_120 = vector.bitcast %get3A_119 : vector<16xi32> to vector<16xi32>
      %get3A_121 = arith.index_cast %while3A_107 : i32 to index
      %get3A_122 = arith.constant 16 : index
      %get3A_123 = tpu.vector_load %arg12[%get3A_121, %get3A_122] {strides = array<i32>} : memref<32x32xf32, #tpu.memory_space<vmem>>, vector<16xf32>,
      %gather3A_124 = tpu.vector_load_idx %arg6[%bitcast3A_120] : memref<100000xf32, #tpu.memory_space<vmem>>[vector<16xi32>], vector<16xf32>,
      %div3A_125 = arith.divf %gather3A_124, %get3A_123 : vector<16xf32>
      %add3A_126 = arith.addf %while3A_109, %div3A_125 : vector<16xf32>
      scf.yield %add3A_116, %add3A_126 : vector<16xf32>, vector<16xf32>
    }
    %while3A_72 = arith.constant 1 : i32
    %while3A_73:2 = scf.for %while3A_107 = %while3A_69 to %while3A_65 step %while3A_72 iter_args(%while3A_108 = %while3A_71#0, %while3A_109 = %while3A_71#1) -> (vector<16xf32>, vector<16xf32>)  : i32 {
      %get3A_110 = arith.index_cast %while3A_107 : i32 to index
      %get3A_111 = arith.constant 0 : index
      %get3A_112 = tpu.vector_load %arg11[%get3A_110, %get3A_111] {strides = array<i32>} : memref<32x32xi32, #tpu.memory_space<vmem>>, vector<16xi32>,
      %bitcast3A = vector.bitcast %get3A_112 : vector<16xi32> to vector<16xi32>
      %get3A_113 = arith.index_cast %while3A_107 : i32 to index
      %get3A_114 = arith.constant 0 : index
      %get3A_115 = tpu.vector_load %arg12[%get3A_113, %get3A_114] {strides = array<i32>} : memref<32x32xf32, #tpu.memory_space<vmem>>, vector<16xf32>,
      %gather3A = tpu.vector_load_idx %arg6[%bitcast3A] : memref<100000xf32, #tpu.memory_space<vmem>>[vector<16xi32>], vector<16xf32>,
      %div3A = arith.divf %gather3A, %get3A_115 : vector<16xf32>
      %add3A_116 = arith.addf %while3A_108, %div3A : vector<16xf32>
      %get3A_117 = arith.index_cast %while3A_107 : i32 to index
      %get3A_118 = arith.constant 16 : index
      %get3A_119 = tpu.vector_load %arg11[%get3A_117, %get3A_118] {strides = array<i32>} : memref<32x32xi32, #tpu.memory_space<vmem>>, vector<16xi32>,
      %bitcast3A_120 = vector.bitcast %get3A_119 : vector<16xi32> to vector<16xi32>
      %get3A_121 = arith.index_cast %while3A_107 : i32 to index
      %get3A_122 = arith.constant 16 : index
      %get3A_123 = tpu.vector_load %arg12[%get3A_121, %get3A_122] {strides = array<i32>} : memref<32x32xf32, #tpu.memory_space<vmem>>, vector<16xf32>,
      %gather3A_124 = tpu.vector_load_idx %arg6[%bitcast3A_120] : memref<100000xf32, #tpu.memory_space<vmem>>[vector<16xi32>], vector<16xf32>,
      %div3A_125 = arith.divf %gather3A_124, %get3A_123 : vector<16xf32>
      %add3A_126 = arith.addf %while3A_109, %div3A_125 : vector<16xf32>
      scf.yield %add3A_116, %add3A_126 : vector<16xf32>, vector<16xf32>
    }
    %run_scoped3A_74 = arith.constant 99968 : i32
    "tpu.region"() ({
      %run_scoped3A_107 = tpu.sem_alloc : memref<!tpu.dma_semaphore, #tpu.memory_space<semaphore_mem>>
      %dma_start3A_108 = arith.constant 32 : i32
      %dma_start3A_109 = tpu.memref_slice %arg3[%dma_start3A_108, %run_scoped3A_74] : memref<64x100000xi32, #tpu.memory_space<hbm>> -> memref<32x32xi32, #tpu.memory_space<hbm>>
      %dma_start3A_110 = arith.constant 32 : i32
      %dma_start3A_111 = tpu.memref_slice %arg3[%dma_start3A_110, %run_scoped3A_74] : memref<64x100000xi32, #tpu.memory_space<hbm>> -> memref<32x32xi32, #tpu.memory_space<hbm>>
      tpu.enqueue_dma source(%dma_start3A_111 : memref<32x32xi32, #tpu.memory_space<hbm>>) target(%arg11 : memref<32x32xi32, #tpu.memory_space<vmem>>) target_semaphore(%run_scoped3A_107 : memref<!tpu.dma_semaphore, #tpu.memory_space<semaphore_mem>>)
      %dma_wait3A_112 = arith.constant 32 : i32
      %dma_wait3A_113 = tpu.memref_slice %arg3[%dma_wait3A_112, %run_scoped3A_74] : memref<64x100000xi32, #tpu.memory_space<hbm>> -> memref<32x32xi32, #tpu.memory_space<hbm>>
      %dma_wait3A_114 = arith.constant 32 : i32
      %dma_wait3A_115 = tpu.memref_slice %arg3[%dma_wait3A_114, %run_scoped3A_74] : memref<64x100000xi32, #tpu.memory_space<hbm>> -> memref<32x32xi32, #tpu.memory_space<hbm>>
      tpu.wait_dma2 semaphore(%run_scoped3A_107 : memref<!tpu.dma_semaphore, #tpu.memory_space<semaphore_mem>>) src(%dma_wait3A_115 : memref<32x32xi32, #tpu.memory_space<hbm>>) dst(%arg11 : memref<32x32xi32, #tpu.memory_space<vmem>>)
      tpu.yield
    }) : () -> ()
    %run_scoped3A_75 = arith.constant 99968 : i32
    "tpu.region"() ({
      %run_scoped3A_107 = tpu.sem_alloc : memref<!tpu.dma_semaphore, #tpu.memory_space<semaphore_mem>>
      %dma_start3A_108 = arith.constant 32 : i32
      %dma_start3A_109 = tpu.memref_slice %arg4[%dma_start3A_108, %run_scoped3A_75] : memref<64x100000xf32, #tpu.memory_space<hbm>> -> memref<32x32xf32, #tpu.memory_space<hbm>>
      %dma_start3A_110 = arith.constant 32 : i32
      %dma_start3A_111 = tpu.memref_slice %arg4[%dma_start3A_110, %run_scoped3A_75] : memref<64x100000xf32, #tpu.memory_space<hbm>> -> memref<32x32xf32, #tpu.memory_space<hbm>>
      tpu.enqueue_dma source(%dma_start3A_111 : memref<32x32xf32, #tpu.memory_space<hbm>>) target(%arg12 : memref<32x32xf32, #tpu.memory_space<vmem>>) target_semaphore(%run_scoped3A_107 : memref<!tpu.dma_semaphore, #tpu.memory_space<semaphore_mem>>)
      %dma_wait3A_112 = arith.constant 32 : i32
      %dma_wait3A_113 = tpu.memref_slice %arg4[%dma_wait3A_112, %run_scoped3A_75] : memref<64x100000xf32, #tpu.memory_space<hbm>> -> memref<32x32xf32, #tpu.memory_space<hbm>>
      %dma_wait3A_114 = arith.constant 32 : i32
      %dma_wait3A_115 = tpu.memref_slice %arg4[%dma_wait3A_114, %run_scoped3A_75] : memref<64x100000xf32, #tpu.memory_space<hbm>> -> memref<32x32xf32, #tpu.memory_space<hbm>>
      tpu.wait_dma2 semaphore(%run_scoped3A_107 : memref<!tpu.dma_semaphore, #tpu.memory_space<semaphore_mem>>) src(%dma_wait3A_115 : memref<32x32xf32, #tpu.memory_space<hbm>>) dst(%arg12 : memref<32x32xf32, #tpu.memory_space<vmem>>)
      tpu.yield
    }) : () -> ()
    %while3A_76 = arith.constant 0 : i32
    %while3A_77 = arith.constant 32 : i32
    %while3A_78 = arith.subi %while3A_77, %while3A_76 : i32
    %while3A_79 = arith.addi %while3A_76, %while3A_78 : i32
    %while3A_80 = arith.constant 1 : i32
    %while3A_81 = arith.divsi %while3A_78, %while3A_80 : i32
    %while3A_82 = arith.muli %while3A_81, %while3A_80 : i32
    %while3A_83 = arith.addi %while3A_76, %while3A_82 : i32
    %while3A_84 = arith.constant 1 : i32
    %while3A_85:2 = scf.for %while3A_107 = %while3A_76 to %while3A_83 step %while3A_84 iter_args(%while3A_108 = %while3A_73#0, %while3A_109 = %while3A_73#1) -> (vector<16xf32>, vector<16xf32>)  : i32 {
      %get3A_110 = arith.index_cast %while3A_107 : i32 to index
      %get3A_111 = arith.constant 0 : index
      %get3A_112 = tpu.vector_load %arg11[%get3A_110, %get3A_111] {strides = array<i32>} : memref<32x32xi32, #tpu.memory_space<vmem>>, vector<16xi32>,
      %bitcast3A = vector.bitcast %get3A_112 : vector<16xi32> to vector<16xi32>
      %get3A_113 = arith.index_cast %while3A_107 : i32 to index
      %get3A_114 = arith.constant 0 : index
      %get3A_115 = tpu.vector_load %arg12[%get3A_113, %get3A_114] {strides = array<i32>} : memref<32x32xf32, #tpu.memory_space<vmem>>, vector<16xf32>,
      %gather3A = tpu.vector_load_idx %arg6[%bitcast3A] : memref<100000xf32, #tpu.memory_space<vmem>>[vector<16xi32>], vector<16xf32>,
      %div3A = arith.divf %gather3A, %get3A_115 : vector<16xf32>
      %add3A_116 = arith.addf %while3A_108, %div3A : vector<16xf32>
      %get3A_117 = arith.index_cast %while3A_107 : i32 to index
      %get3A_118 = arith.constant 16 : index
      %get3A_119 = tpu.vector_load %arg11[%get3A_117, %get3A_118] {strides = array<i32>} : memref<32x32xi32, #tpu.memory_space<vmem>>, vector<16xi32>,
      %bitcast3A_120 = vector.bitcast %get3A_119 : vector<16xi32> to vector<16xi32>
      %get3A_121 = arith.index_cast %while3A_107 : i32 to index
      %get3A_122 = arith.constant 16 : index
      %get3A_123 = tpu.vector_load %arg12[%get3A_121, %get3A_122] {strides = array<i32>} : memref<32x32xf32, #tpu.memory_space<vmem>>, vector<16xf32>,
      %gather3A_124 = tpu.vector_load_idx %arg6[%bitcast3A_120] : memref<100000xf32, #tpu.memory_space<vmem>>[vector<16xi32>], vector<16xf32>,
      %div3A_125 = arith.divf %gather3A_124, %get3A_123 : vector<16xf32>
      %add3A_126 = arith.addf %while3A_109, %div3A_125 : vector<16xf32>
      scf.yield %add3A_116, %add3A_126 : vector<16xf32>, vector<16xf32>
    }
    %while3A_86 = arith.constant 1 : i32
    %while3A_87:2 = scf.for %while3A_107 = %while3A_83 to %while3A_79 step %while3A_86 iter_args(%while3A_108 = %while3A_85#0, %while3A_109 = %while3A_85#1) -> (vector<16xf32>, vector<16xf32>)  : i32 {
      %get3A_110 = arith.index_cast %while3A_107 : i32 to index
      %get3A_111 = arith.constant 0 : index
      %get3A_112 = tpu.vector_load %arg11[%get3A_110, %get3A_111] {strides = array<i32>} : memref<32x32xi32, #tpu.memory_space<vmem>>, vector<16xi32>,
      %bitcast3A = vector.bitcast %get3A_112 : vector<16xi32> to vector<16xi32>
      %get3A_113 = arith.index_cast %while3A_107 : i32 to index
      %get3A_114 = arith.constant 0 : index
      %get3A_115 = tpu.vector_load %arg12[%get3A_113, %get3A_114] {strides = array<i32>} : memref<32x32xf32, #tpu.memory_space<vmem>>, vector<16xf32>,
      %gather3A = tpu.vector_load_idx %arg6[%bitcast3A] : memref<100000xf32, #tpu.memory_space<vmem>>[vector<16xi32>], vector<16xf32>,
      %div3A = arith.divf %gather3A, %get3A_115 : vector<16xf32>
      %add3A_116 = arith.addf %while3A_108, %div3A : vector<16xf32>
      %get3A_117 = arith.index_cast %while3A_107 : i32 to index
      %get3A_118 = arith.constant 16 : index
      %get3A_119 = tpu.vector_load %arg11[%get3A_117, %get3A_118] {strides = array<i32>} : memref<32x32xi32, #tpu.memory_space<vmem>>, vector<16xi32>,
      %bitcast3A_120 = vector.bitcast %get3A_119 : vector<16xi32> to vector<16xi32>
      %get3A_121 = arith.index_cast %while3A_107 : i32 to index
      %get3A_122 = arith.constant 16 : index
      %get3A_123 = tpu.vector_load %arg12[%get3A_121, %get3A_122] {strides = array<i32>} : memref<32x32xf32, #tpu.memory_space<vmem>>, vector<16xf32>,
      %gather3A_124 = tpu.vector_load_idx %arg6[%bitcast3A_120] : memref<100000xf32, #tpu.memory_space<vmem>>[vector<16xi32>], vector<16xf32>,
      %div3A_125 = arith.divf %gather3A_124, %get3A_123 : vector<16xf32>
      %add3A_126 = arith.addf %while3A_109, %div3A_125 : vector<16xf32>
      scf.yield %add3A_116, %add3A_126 : vector<16xf32>, vector<16xf32>
    }
    %eq3A_88 = arith.constant 31 : i32
    %eq3A_89 = arith.cmpi eq, %add3A, %eq3A_88 : i32
    %jit3A_90 = arith.constant 1.000000e+00 : f32
    %jit3A_91 = arith.constant 0.000000e+00 : f32
    %select_n3A_92 = arith.select %eq3A_89, %jit3A_90, %jit3A_91 : f32
    %get3A = arith.constant 99968 : i32
    %get3A_93 = arith.index_cast %get3A : i32 to index
    %get3A_94 = tpu.vector_load %arg6[%get3A_93] {strides = array<i32>} : memref<100000xf32, #tpu.memory_space<vmem>>, vector<16xf32>,
    %mul3A_95 = arith.mulf %while3A_87#0, %get3A_94 : vector<16xf32>
    %mul3A_96 = vector.broadcast %select_n3A_92 : f32 to vector<16xf32>
    %mul3A_97 = arith.mulf %mul3A_95, %mul3A_96 : vector<16xf32>
    %add3A_98 = arith.addf %while3A_40, %mul3A_97 : vector<16xf32>
    %get3A_99 = arith.constant 99984 : i32
    %get3A_100 = arith.index_cast %get3A_99 : i32 to index
    %get3A_101 = tpu.vector_load %arg6[%get3A_100] {strides = array<i32>} : memref<100000xf32, #tpu.memory_space<vmem>>, vector<16xf32>,
    %mul3A_102 = arith.mulf %while3A_87#1, %get3A_101 : vector<16xf32>
    %mul3A_103 = vector.broadcast %select_n3A_92 : f32 to vector<16xf32>
    %mul3A_104 = arith.mulf %mul3A_102, %mul3A_103 : vector<16xf32>
    %add3A_105 = arith.addf %add3A_98, %mul3A_104 : vector<16xf32>
    %swap3A = arith.constant 0 : index
    %swap3A_106 = tpu.vector_load %arg13[%swap3A] {strides = array<i32>} : memref<16xf32, #tpu.memory_space<vmem>>, vector<16xf32>,
    tpu.vector_store %arg13[%swap3A], %add3A_105 {strides = array<i32>} : memref<16xf32, #tpu.memory_space<vmem>>, vector<16xf32>,
    "tpu.region"() ({
      %run_scoped3A_107 = tpu.sem_alloc : memref<!tpu.dma_semaphore, #tpu.memory_space<semaphore_mem>>
      %dma_start3A_108 = arith.constant 0 : i32
      %dma_start3A_109 = tpu.memref_slice %arg5[%add3A, %dma_start3A_108] : memref<32x16xf32, #tpu.memory_space<hbm>> -> memref<1x16xf32, #tpu.memory_space<hbm>>
      %dma_start3A_110 = tpu.memref_squeeze %dma_start3A_109 : memref<1x16xf32, #tpu.memory_space<hbm>> -> memref<16xf32, #tpu.memory_space<hbm>>
      %dma_start3A_111 = arith.constant 0 : i32
      %dma_start3A_112 = tpu.memref_slice %arg5[%add3A, %dma_start3A_111] : memref<32x16xf32, #tpu.memory_space<hbm>> -> memref<1x16xf32, #tpu.memory_space<hbm>>
      %dma_start3A_113 = tpu.memref_squeeze %dma_start3A_112 : memref<1x16xf32, #tpu.memory_space<hbm>> -> memref<16xf32, #tpu.memory_space<hbm>>
      tpu.enqueue_dma source(%arg13 : memref<16xf32, #tpu.memory_space<vmem>>) target(%dma_start3A_113 : memref<16xf32, #tpu.memory_space<hbm>>) target_semaphore(%run_scoped3A_107 : memref<!tpu.dma_semaphore, #tpu.memory_space<semaphore_mem>>)
      %dma_wait3A_114 = arith.constant 0 : i32
      %dma_wait3A_115 = tpu.memref_slice %arg5[%add3A, %dma_wait3A_114] : memref<32x16xf32, #tpu.memory_space<hbm>> -> memref<1x16xf32, #tpu.memory_space<hbm>>
      %dma_wait3A_116 = tpu.memref_squeeze %dma_wait3A_115 : memref<1x16xf32, #tpu.memory_space<hbm>> -> memref<16xf32, #tpu.memory_space<hbm>>
      %dma_wait3A_117 = arith.constant 0 : i32
      %dma_wait3A_118 = tpu.memref_slice %arg5[%add3A, %dma_wait3A_117] : memref<32x16xf32, #tpu.memory_space<hbm>> -> memref<1x16xf32, #tpu.memory_space<hbm>>
      %dma_wait3A_119 = tpu.memref_squeeze %dma_wait3A_118 : memref<1x16xf32, #tpu.memory_space<hbm>> -> memref<16xf32, #tpu.memory_space<hbm>>
      tpu.wait_dma2 semaphore(%run_scoped3A_107 : memref<!tpu.dma_semaphore, #tpu.memory_space<semaphore_mem>>) src(%arg13 : memref<16xf32, #tpu.memory_space<vmem>>) dst(%dma_wait3A_119 : memref<16xf32, #tpu.memory_space<hbm>>)
      tpu.yield
    }) : () -> ()
    return
  }
}

</mosaic_0001>

<sc_bundles>
// kernel: kernel.3.cloned.1.call-start
scs
__scs_entry_jumppad:
0x0: {  	(pc) =	sbr.rel $0x88, $3  }
0x1: {  	(tag) =	ssettag $0x0;
	lr =	simm.s32 $0x1  }
0x2: {  	[smem:$0x3F9E] =	sst lr;
	_ =	strace $0xD0000000  }
0x3: {  	_ = 	snop  }
0x4: {  	_ = 	snop  }
0x5: {  	_ = 	snop  }
0x6: {  	_ = 	snop  }
0x7: {  	_ = 	snop  }
__scs_overlays_trampoline_lowered:
0x8: {  	[smem:$0x3FAD] =	sst s0  }
0x9: {  	[smem:$0x3FAE] =	sst s1  }
0xa: {  	[smem:$0x3FAF] =	sst s2  }
0xb: {  	[smem:$0x3FB0] =	sst s3  }
0xc: {  	[smem:$0x3FB1] =	sst s4  }
0xd: {  	[smem:$0x3FB2] =	sst s5  }
0xe: {  	[smem:$0x3FB3] =	sst s6  }
0xf: {  	[smem:$0x3FB4] =	sst s7  }
0x10: {  	[smem:$0x3FB5] =	sst s8  }
0x11: {  	[smem:$0x3FB6] =	sst s9;
	s0 =	simm.s32 @!p0 $0x0  }
0x12: {  	s1 =	sld [smem:$0x3F9C];
	s0 =	simm.s32 @p0 $0x1  }
0x13: {  	[smem:$0x3FB7] =	sst s0;
	s0 =	simm.s32 @!p1 $0x0  }
0x14: {  	s2 =	sld [smem:$0x3F9B];
	s0 =	simm.s32 @p1 $0x1  }
0x15: {  	[smem:$0x3FB8] =	sst s0;
	s0 =	simm.s32 @!p2 $0x0  }
0x16: {  	s3 =	sld [smem:$0x3FDB];
	s0 =	simm.s32 @p2 $0x1  }
0x17: {  	s4 =	simm.s32 $0x1BF5;
	[smem:$0x3FBA] =	sst s0  }
0x18: {  	s0 =	sld [smem:$0x3F9D];
	_ =	swait.ge [sflag:s4], $0x0  }
0x19: {  	s7 =	sld [smem:$0x3F9E]  }
0x1a: {  	s8 =	sadd.s32 $0xFFFFE003, lr  }
0x1b: {  	s9 =	sadd.s32 $0xFFFFFEF7, lr;
	s5 =	simm.s32 $0xFFFFFFFF;
	p2 =	slt.u32 s8, $0xFFFFF086  }
0x1c: {  	p1 =	slt.u32 s9, $0xF7A;
	s5 =	simm.s32 @!p2 $0x0  }
0x1d: {  	s5 =	simm.s32 @p1 $0x1;
	p0 =	seq.s32 s7, s2  }
0x1e: {  	s7 =	smul.u32 @!p0 $0xF7A, s2;
	p2 =	seq.s32 @!p0 s5, $0x0  }
0x1f: {  	s9 =	smul.u32 $0xF7A, s1;
	s8 =	simm.s32 @!p0 $0x1BF5;
	p2 =	por !p2, p0  }
0x20: {  	[sflag:s8] =	ssyncset.s32 @!p0 $0xFFFFF086;
	s6 =	sadd.s32 @!p0 s3, s7;
	s7 =	simm.s32 @!p0 $0x108  }
0x21: {  	s3 =	sadd.s32 s3, s9;
	s6 =	sadd.s32 @!p0 $0x88, s6;
	s7 =	simm.s32 @p2 $0x1082  }
0x22: {  	[simem:s7], [sflag:s8] =	dma.local @!p0 [hbm:s6], $0xF7A  }
0x23: {  	s9 =	sor.u32 $0xD0000000, s2;
	s6 =	simm.s32 $0x108;
	_ =	swait.ge @!p0 [sflag:s8], $0x0  }
0x24: {  	s3 =	sadd.s32 $0x88, s3;
	s6 =	simm.s32 @!p1 $0x1082;
	[sflag:s4] =	ssyncset.s32 $0xFFFFF086  }
0x25: {  	[simem:s6], [sflag:s4] =	dma.local [hbm:s3], $0xF7A  }
0x26: {  	[smem:$0x3F9E] =	sst s1;
	(tag) =	ssettag s2;
	_ =	strace s9  }
0x27: {  	s1 =	sld [smem:$0x3FAE]  }
0x28: {  	s2 =	sld [smem:$0x3FAF]  }
0x29: {  	s4 =	sld [smem:$0x3FB1]  }
0x2a: {  	p0 =	seq.s32 s5, $0x0;
	s5 =	sld [smem:$0x3FB2]  }
0x2b: {  	s6 =	sld [smem:$0x3FB3]  }
0x2c: {  	s7 =	sld [smem:$0x3FB4]  }
0x2d: {  	s3 =	simm.s32 $0x108;
	s8 =	sld [smem:$0x3FB5]  }
0x2e: {  	s3 =	simm.s32 @!p0 $0x1082;
	s9 =	sld [smem:$0x3FB6]  }
0x2f: {  	lr =	sadd.s32 s0, s3;
	s0 =	sld [smem:$0x3FAD]  }
0x30: {  	s3 =	sld [smem:$0x3FB0]  }
0x31: {  	[smem:$0x3FB9] =	sst s10  }
0x32: {  	s10 =	sld [smem:$0x3FB7];
	_ =	sdelay $0x3  }
0x33: {  	p0 =	seq.s32 s10, $0x1;
	s10 =	sld [smem:$0x3FB9];
	_ =	sdelay $0x3  }
0x34: {  	[smem:$0x3FB9] =	sst s10  }
0x35: {  	s10 =	sld [smem:$0x3FB8];
	_ =	sdelay $0x3  }
0x36: {  	p1 =	seq.s32 s10, $0x1;
	s10 =	sld [smem:$0x3FB9];
	_ =	sdelay $0x3  }
0x37: {  	[smem:$0x3FB9] =	sst s10  }
0x38: {  	s10 =	sld [smem:$0x3FBA]  }
0x39: {  	_ = 	snop;
	(pc) =	sbr.ind lr, $3  }
0x3a: {  	_ = 	snop  }
0x3b: {  	_ = 	snop  }
0x3c: {  	p2 =	seq.s32 s10, $0x1;
	s10 =	sld [smem:$0x3FB9]  }
0x3d: {  	_ =	shalt  }
0x3e: {  	_ =	shalt  }
0x3f: {  	_ =	shalt  }
0x40: {  	_ =	shalt  }
0x41: {  	_ =	shalt  }
0x42: {  	_ =	shalt  }
0x43: {  	_ =	shalt  }
0x44: {  	_ =	shalt  }
0x45: {  	_ =	shalt  }
0x46: {  	_ =	shalt  }
0x47: {  	_ =	shalt  }
0x48: {  	_ =	shalt  }
0x49: {  	_ =	shalt  }
0x4a: {  	_ =	shalt  }
0x4b: {  	_ =	shalt  }
0x4c: {  	_ =	shalt  }
0x4d: {  	_ =	shalt  }
0x4e: {  	_ =	shalt  }
0x4f: {  	_ =	shalt  }
0x50: {  	_ =	shalt  }
0x51: {  	_ =	shalt  }
0x52: {  	_ =	shalt  }
0x53: {  	_ =	shalt  }
0x54: {  	_ =	shalt  }
0x55: {  	_ =	shalt  }
0x56: {  	_ =	shalt  }
0x57: {  	_ =	shalt  }
0x58: {  	_ =	shalt  }
0x59: {  	_ =	shalt  }
0x5a: {  	_ =	shalt  }
0x5b: {  	_ =	shalt  }
0x5c: {  	_ =	shalt  }
0x5d: {  	_ =	shalt  }
0x5e: {  	_ =	shalt  }
0x5f: {  	_ =	shalt  }
0x60: {  	_ =	shalt  }
0x61: {  	_ =	shalt  }
0x62: {  	_ =	shalt  }
0x63: {  	_ =	shalt  }
0x64: {  	_ =	shalt  }
0x65: {  	_ =	shalt  }
0x66: {  	_ =	shalt  }
0x67: {  	_ =	shalt  }
0x68: {  	_ =	shalt  }
0x69: {  	_ =	shalt  }
0x6a: {  	_ =	shalt  }
0x6b: {  	_ =	shalt  }
0x6c: {  	_ =	shalt  }
0x6d: {  	_ =	shalt  }
0x6e: {  	_ =	shalt  }
0x6f: {  	_ =	shalt  }
0x70: {  	_ =	shalt  }
0x71: {  	_ =	shalt  }
0x72: {  	_ =	shalt  }
0x73: {  	_ =	shalt  }
0x74: {  	_ =	shalt  }
0x75: {  	_ =	shalt  }
0x76: {  	_ =	shalt  }
0x77: {  	_ =	shalt  }
0x78: {  	_ =	shalt  }
0x79: {  	_ =	shalt  }
0x7a: {  	_ =	shalt  }
0x7b: {  	_ =	shalt  }
0x7c: {  	_ =	shalt  }
0x7d: {  	_ =	shalt  }
0x7e: {  	_ =	shalt  }
0x7f: {  	_ =	shalt  }
0x80: {  	_ =	shalt  }
0x81: {  	_ =	shalt  }
0x82: {  	_ =	shalt  }
0x83: {  	_ =	shalt  }
0x84: {  	_ =	shalt  }
0x85: {  	_ =	shalt  }
0x86: {  	_ =	shalt  }
0x87: {  	_ =	shalt  }
.Lfunc_end0:
.L_simem_size_0:
called_computation_lowered:
.L_overlay_start_0:
0x88: {  	s2 =	sld [smem:$0x3FD9]  }
0x89: {  	s3 =	sld [smem:$0x3FFE];
	_ =	sdelay $0x1  }
0x8a: {  	s1 =	srdreg.scid  }
0x8b: {  	s0 =	sand.u32 $0x1, s1  }
0x8c: {  	s17 =	sshll.u32 s0, $0xA;
	s2 =	sadd.s32 s3, s2  }
0x8d: {  	s2 =	sadd.s32 s2, s17  }
0x8e: {  	[smem:$0x3FC5] =	sst s2  }
0x8f: {  	_ = 	snop  }
0x90: {  	s2 =	sld [smem:$0x3FC9]  }
0x91: {  	s18 =	sld [smem:$0x3FC8];
	(tm) =	ssettm $0x1  }
0x92: {  	s4 =	sld [smem:$0x3FFB];
	_ =	sdelay $0x3  }
0x93: {  	_ =	strace s4  }
0x94: {  	s4 =	sld [smem:$0x3FFC];
	_ =	sdelay $0x3  }
0x95: {  	_ =	strace s4  }
0x96: {  	s4 =	sld [smem:$0x3FFD];
	_ =	sdelay $0x3  }
0x97: {  	_ =	strace s4  }
0x98: {  	_ =	strace $0x8FFFFFFF  }
0x99: {  	s19 =	sld [smem:$0x3FDB];
	_ =	sdelay $0x1  }
0x9a: {  	s5 =	simm.s32 $_scs_section_size  }
0x9b: {  	s6 =	simm.s32 $_size__tile_overlayer_lowered;
	s7 =	simm.s32 $_tile_overlayer_lowered  }
0x9c: {  	s22 =	simm.s32 $0x1BFF;
	s21 =	sshll.u32 s7, $0x1;
	s4 =	sadd.s32 s5, s19  }
0x9d: {  	s8 =	simm.s32 $0x0;
	s20 =	sshll.u32 s6, $0x1;
	s6 =	sadd.s32 s21, s4  }
0x9e: {  	[timem:s8], [sflag:s22] =	dma.local [hbm:s6], s20  }
0x9f: {  	_ =	swait.ge [sflag:s22], s20  }
0xa0: {  	s5 =	ssub.s32 $0x0, s20;
	[sflag:s22] =	ssyncset.done $0x0  }
0xa1: {  	[sflag:s22] =	ssyncadd.s32 s5;
	_ =	sdelay $0x1  }
0xa2: {  	s23 =	simm.s32 $0x1B8B  }
0xa3: {  	_ =	swait.ge [sflag:s23], $0x1  }
0xa4: {  	[sflag:s23] =	ssyncset.done $0x0  }
0xa5: {  	s25 =	simm.s32 $0x1B8E;
	s24 =	sld [smem:$0x3FFE];
	[sflag:s23] =	ssyncadd.s32 $0xFFFFFFFF  }
0xa6: {  	s26 =	simm.s32 $execute0_lowered;
	[smem:$0x3FD2] =	sst s25  }
0xa7: {  	s6 =	sshll.u32 s26, $0x1;
	_ =	strace $0x80000046;
	[dreg:$0x1] =	wrdreg $0xFFFFFFFF  }
0xa8: {  	s28 =	simm.s32 $_size_execute0_lowered;
	s4 =	sadd.s32 s4, s6;
	[dreg:$0x0] =	wrdreg $0x0  }
0xa9: {  	s6 =	sshll.u32 s28, $0x1;
	[dreg:$0x2] =	wrdreg s4  }
0xaa: {  	[dreg:$0x3] =	wrdreg s6  }
0xab: {  	[dreg:$0x4] =	wrdreg $0xC0  }
0xac: {  	_ =	task [dreg:s8], $0x5FFFF  }
0xad: {  	[dreg:$0x1] =	wrdreg $0xFFFFFFFF  }
0xae: {  	[dreg:$0x0] =	wrdreg $0x60  }
0xaf: {  	[dreg:$0x2] =	wrdreg s2  }
0xb0: {  	[dreg:$0x3] =	wrdreg s24  }
0xb1: {  	[dreg:$0x4] =	wrdreg s18  }
0xb2: {  	[dreg:$0x5] =	wrdreg $0x9  }
0xb3: {  	_ =	task.clear_ibuf [dreg:s8], $0x6FFFF;
	_ =	strace $0x90000046  }
0xb4: {  	s29 =	simm.s32 $0x9;
	_ =	strace $0x80000048  }
0xb5: {  	_ =	swait.ge [sflag:s29], $0x1  }
0xb6: {  	[sflag:s29] =	ssyncadd.s32 $0xFFFFFFFF  }
0xb7: {  	_ =	strace $0x90000048  }
0xb8: {  	_ =	sfence  }
0xb9: {  	s30 =	sld [smem:$0x0];
	_ =	sdelay $0x2  }
0xba: {  	s31 =	sshll.u32 s1, $0xD;
	s1 =	sshrl.u32 s1, $0x2  }
0xbb: {  	s3 =	sand.u32 $0x4000, s31;
	s1 =	sadd.s32 s1, s30  }
0xbc: {  	s0 =	sor.u32 s3, s0;
	s1 =	sshll.u32 s1, $0x11  }
0xbd: {  	s0 =	sor.u32 s1, s0  }
0xbe: {  	s0 =	sadd.s32 $0x8F2B, s0  }
0xbf: {  	[sflag:s0] =	ssyncadd.remote.s32 $0x1  }
0xc0: {  	_ =	sfence.sel $0xFFFF  }
0xc1: {  	[dreg:$0x0] =	wrdreg $0xFFFFFFFF;
	(pc) =	sbr.abs _section_cstart, $3  }
0xc2: {  	[dreg:$0x1] =	wrdreg $0xFFFFFFFF  }
0xc3: {  	_ =	task.clear_ibuf [dreg:s8], $0x2FFFF;
	_ =	strace $0x9FFFFFFF  }
0xc4: {  	(tm) =	ssettm $0x7FFFFFFF  }
0xc5: {  	_ =	shalt  }
tec
execute0_lowered:
.L_overlay_start_1:
0x0: {  	(tag) =	ssettag $0x1  }
0x1: {  	s3 =	rddreg [dreg:$0x1]  }
0x2: {  	s4 =	rddreg [dreg:$0x2];
	s0 =	srdreg.scid  }
0x3: {  	s1 =	stileid.u32;
	s5 =	simm.s32 $0x0;
	s7 =	simm.s32 $0x6  }
0x4: {  	s18 =	simm.s32 $0x400;
	s19 =	simm.s32 $0xC3800;
	s20 =	simm.s32 $0x18700  }
0x5: {  	s21 =	simm.s32 $0x1A700;
	s22 =	simm.s32 $0x3;
	s23 =	simm.s32 $0x19700  }
0x6: {  	s24 =	simm.s32 $0x1B700;
	s28 =	simm.s32 $0x1C700;
	s29 =	simm.s32 $0x4  }
0x7: {  	s30 =	simm.s32 $0x1D700;
	s0 =	sand.u32 $0x1, s0;
	s1 =	sshll.u32 s1, $0x1  }
0x8: {  	[smem:$0x7FF] =	sst s5;
	s12 =	sadd.s32 $0x18680, s3;
	s13 =	sadd.s32 $0x18680, s4  }
0x9: {  	s14 =	sadd.s32 $0x7A280, s3;
	s15 =	sadd.s32 $0x7A280, s4;
	s1 =	sor.u32 s0, s1  }
0xa: {  	_ =	strace $0x80000047;
	s0 =	ssub.s32 $0x2, s0;
	s2 =	sshll.u32 s1, $0x4  }
0xb: {  	s6 =	smul.u32 $0xC80, s1;
	p0 =	seq.s32 s1, $0x1F;
	s26 =	sshrl.u32 s0, $0x1  }
0xc: {  	s25 =	sadd.s32 s2, s3;
	s7 =	simm.s32 @!p0 $0x19;
	s0 =	ssub.s32 s0, s26  }
0xd: {  	s2 =	simm.f32 $1.000000000e+00;
	s26 =	simm.s32 $0x2;
	s8 =	sadd.s32 $0xFFFFFFFF, s7  }
0xe: {  	s31 =	sadd.s32 s3, s6;
	s10 =	sadd.s32 s4, s6;
	s2 =	simm.s32 @!p0 $0x0  }
0xf: {  	s11 =	sshrl.u32 s6, $0x7;
	s16 =	sadd.s32 $0xC3800, s25;
	s17 =	smax.u32 s0, $0x1;
	v0 =	vmov s2  }
0x10: {  	s25 =	simm.s32 $0x1;
	v1 =	vmov s6;
	s0 =	simm.s32 $0x0;
	[dreg:$0x4] =	wrdreg s31;
	[tilespmem:$0x1FFF0] =	vst v0  }
.LBB2_1:
0x11: {  	s1 =	rddreg [dreg:$0x0]  }
0x12: {  	[tilespmem:s5], [sflag:$0x3] =	stream.linear.gather [hbm4b:s1+s5], $0x18700, $0x38;
	[tilespmem:$0x1E780] =	vst v63  }
0x13: {  	s31 =	rddreg [dreg:$0x4]  }
0x14: {  	[tilespmem:s20], [sflag:$0x1] =	stream.strided.gather [hbm4b:s31+s18], $0x1000, s19, s18, $0x38;
	[tilespmem:$0x1E780] =	vst v63  }
0x15: {  	_ = 	snop  }
0x16: {  	[tilespmem:s21], [sflag:$0x1] =	stream.strided.gather [hbm4b:s10+s18], $0x1000, s19, s18, $0x38;
	[tilespmem:$0x1E780] =	vst v63  }
0x17: {  	_ =	swait.ge [sflag:s22], $0x18700  }
0x18: {  	[sflag:s22] =	ssyncset.done $0x0  }
0x19: {  	v16 =	vimm.f32 $0.0e+00;
	s2 =	simm.s32 $0x0;
	[sflag:s22] =	ssyncadd.s32 $0xFFFE7900  }
.LBB2_2:
0x1a: {  	s1 =	sadd.s32 s11, s2  }
0x1b: {  	s1 =	sshll.u32 s1, $0x7  }
0x1c: {  	s1 =	sand.u32 $0x1FFFFF80, s1  }
0x1d: {  	s1 =	sadd.s32 $0x61C00, s1  }
0x1e: {  	s9 =	sadd.s32 s3, s1  }
0x1f: {  	[tilespmem:s23], [sflag:$0x2] =	stream.strided.gather [hbm4b:s9+s18], $0x1000, s19, s18, $0x38;
	[tilespmem:$0x1E780] =	vst v63  }
0x20: {  	[tilespmem:$0x1FFE0] =	vst v16;
	s1 =	sadd.s32 s4, s1  }
0x21: {  	[tilespmem:s24], [sflag:$0x2] =	stream.strided.gather [hbm4b:s1+s18], $0x1000, s19, s18, $0x38;
	[tilespmem:$0x1E780] =	vst v63  }
0x22: {  	_ =	swait.ge [sflag:s25], $0x1000  }
0x23: {  	[sflag:s25] =	ssyncset.done $0x0  }
0x24: {  	[sflag:s25] =	ssyncadd.s32 $0xFFFFF000  }
0x25: {  	_ =	swait.ge [sflag:s25], $0x1000  }
0x26: {  	[sflag:s25] =	ssyncset.done $0x0  }
0x27: {  	s9 =	simm.s32 $0x0;
	[sflag:s25] =	ssyncadd.s32 $0xFFFFF000  }
0x28: {  	v4 =	vld [tilespmem:s9+$0x1A770]  }
0x29: {  	v5 =	vld [tilespmem:s9+$0x18770]  }
0x2a: {  	v6 =	vld [tilespmem:s9+$0x1A700]  }
0x2b: {  	v7 =	vld [tilespmem:s9+$0x1A710]  }
0x2c: {  	v8 =	vld [tilespmem:s9+$0x1A720]  }
0x2d: {  	v9 =	vld [tilespmem:s9+$0x1A730]  }
0x2e: {  	v10 =	vld [tilespmem:s9+$0x1A740]  }
0x2f: {  	v11 =	vld [tilespmem:s9+$0x1A750]  }
0x30: {  	v12 =	vld [tilespmem:s9+$0x1A760]  }
0x31: {  	v13 =	vld [tilespmem:s9+$0x18700]  }
0x32: {  	v14 =	vld [tilespmem:s9+$0x18710]  }
0x33: {  	v15 =	vld [tilespmem:s9+$0x18720]  }
0x34: {  	v16 =	vld [tilespmem:s9+$0x18730]  }
0x35: {  	v17 =	vld [tilespmem:s9+$0x18740]  }
0x36: {  	v18 =	vld [tilespmem:s9+$0x18750]  }
0x37: {  	s31 =	simm.s32 $0x80;
	v19 =	vld [tilespmem:s9+$0x18760]  }
0x38: {  	v53 =	vld [tilespmem:s31+$0x1A710]  }
0x39: {  	v54 =	vld [tilespmem:s31+$0x1A720]  }
0x3a: {  	v55 =	vld [tilespmem:s31+$0x1A730]  }
0x3b: {  	v56 =	vld [tilespmem:s31+$0x1A740]  }
0x3c: {  	v58 =	vld [tilespmem:s31+$0x18700]  }
0x3d: {  	v59 =	vld [tilespmem:s31+$0x18710]  }
0x3e: {  	v60 =	vld [tilespmem:s31+$0x18720];
	(erf) = vrcp.f32 v4  }
0x3f: {  	v29 =	vld [tilespmem:s31+$0x18730];
	(erf) = vrcp.f32 v6  }
0x40: {  	v32 =	vld [tilespmem:s31+$0x18750];
	(erf) = vrcp.f32 v7  }
0x41: {  	v4 =	vld [tilespmem:s31+$0x1A770];
	(erf) = vrcp.f32 v8  }
0x42: {  	v7 =	vld [tilespmem:s31+$0x1A700];
	(erf) = vrcp.f32 v9  }
0x43: {  	v6 =	vld [tilespmem:s31+$0x18770];
	(erf) = vrcp.f32 v10  }
0x44: {  	v5 =	vld.idx.msk [tilespmem:v5+s5+$0x0], $0xffff;
	(erf) = vrcp.f32 v11  }
0x45: {  	v13 =	vld.idx.msk [tilespmem:v13+s5+$0x0], $0xffff;
	(erf) = vrcp.f32 v12  }
0x46: {  	v20 =	vld.idx.msk [tilespmem:v16+s5+$0x0], $0xffff;
	(erf) = vrcp.f32 v4  }
0x47: {  	v4 =	vld [tilespmem:s31+$0x1A750];
	v12 =	vpop (erf);
	(erf) = vrcp.f32 v7  }
0x48: {  	v7 =	vld [tilespmem:s31+$0x1A760];
	v16 =	vpop (erf);
	(erf) = vrcp.f32 v53  }
0x49: {  	v14 =	vld.idx.msk [tilespmem:v14+s5+$0x0], $0xffff;
	v57 =	vpop (erf);
	(erf) = vrcp.f32 v54  }
0x4a: {  	v21 =	vld.idx.msk [tilespmem:v17+s5+$0x0], $0xffff;
	v17 =	vpop (erf);
	(erf) = vrcp.f32 v55  }
0x4b: {  	v15 =	vld.idx.msk [tilespmem:v15+s5+$0x0], $0xffff;
	v24 =	vpop (erf);
	(erf) = vrcp.f32 v56  }
0x4c: {  	v18 =	vld.idx.msk [tilespmem:v18+s5+$0x0], $0xffff;
	v25 =	vpop (erf);
	(erf) = vrcp.f32 v4  }
0x4d: {  	v34 =	vld.idx.msk [tilespmem:v19+s5+$0x0], $0xffff;
	v26 =	vpop (erf);
	(erf) = vrcp.f32 v7  }
0x4e: {  	v7 =	vld [tilespmem:s31+$0x18740];
	v33 =	vpop (erf)  }
0x4f: {  	v6 =	vld.idx.msk [tilespmem:v6+s5+$0x0], $0xffff;
	v30 =	vpop (erf)  }
0x50: {  	v27 =	vld.idx.msk [tilespmem:v58+s5+$0x0], $0xffff;
	v5 =	vmul.f32 v12, v5;
	v22 =	vpop (erf)  }
0x51: {  	v0 =	vimm.f32 $0.0e+00;
	v31 =	vld.idx.msk [tilespmem:v59+s5+$0x0], $0xffff;
	v12 =	vmul.f32 v16, v13;
	v8 =	vmul.f32 v57, v14;
	v23 =	vpop (erf)  }
0x52: {  	v28 =	vld.idx.msk [tilespmem:v60+s5+$0x0], $0xffff;
	v5 =	vadd.f32 v5, v0;
	v13 =	vmul.f32 v17, v15;
	v61 =	vmul.f32 v24, v20;
	v24 =	vpop (erf)  }
0x53: {  	v29 =	vld.idx.msk [tilespmem:v29+s5+$0x0], $0xffff;
	v16 =	vadd.f32 v12, v0;
	v17 =	vadd.f32 v8, v0;
	v62 =	vmul.f32 v25, v21;
	v25 =	vpop (erf)  }
0x54: {  	v32 =	vld.idx.msk [tilespmem:v32+s5+$0x0], $0xffff;
	v63 =	vmul.f32 v26, v18;
	v18 =	vadd.f32 v13, v0;
	v6 =	vmul.f32 v30, v6;
	v26 =	vpop (erf)  }
0x55: {  	v4 =	vld [tilespmem:s31+$0x18760];
	v20 =	vimm.f32 $0.0e+00;
	v15 =	vadd.f32 v61, v0;
	v14 =	vadd.f32 v62, v0;
	v21 =	vpop (erf)  }
0x56: {  	s1 =	simm.s32 $0x600;
	s9 =	simm.s32 $0x100;
	v34 =	vmul.f32 v33, v34;
	v13 =	vadd.f32 v63, v0;
	v12 =	vadd.f32 v6, v5;
	v30 =	vld.idx.msk [tilespmem:v7+s5+$0x0], $0xffff;
	v19 =	vpop (erf)  }
.LBB2_3:
0x57: {  	p0 =	sne.s32 s1, $0x3E00;
	v5 =	vld [tilespmem:s9+$0x1A770];
	v6 =	vmul.f32 v22, v27  }
0x58: {  	v8 =	vmul.f32 v23, v31;
	v7 =	vld [tilespmem:s9+$0x18770];
	v20 =	vadd.f32 v34, v20  }
0x59: {  	v9 =	vld [tilespmem:s9+$0x1A700];
	v16 =	vadd.f32 v6, v16;
	v6 =	vmul.f32 v24, v28  }
0x5a: {  	v17 =	vadd.f32 v8, v17;
	v8 =	vmul.f32 v25, v29;
	v10 =	vld [tilespmem:s9+$0x1A710]  }
0x5b: {  	v11 =	vld [tilespmem:s9+$0x1A720];
	v18 =	vadd.f32 v6, v18;
	v6 =	vmul.f32 v26, v30  }
0x5c: {  	v15 =	vadd.f32 v8, v15;
	v22 =	vld [tilespmem:s9+$0x1A730];
	(erf) = vrcp.f32 v5;
	v5 =	vmul.f32 v21, v32  }
0x5d: {  	v8 =	vld [tilespmem:s9+$0x1A740];
	v14 =	vadd.f32 v6, v14  }
0x5e: {  	v6 =	vld [tilespmem:s9+$0x1A750];
	(erf) = vrcp.f32 v9;
	v13 =	vadd.f32 v5, v13  }
0x5f: {  	v5 =	vld [tilespmem:s9+$0x1A760];
	(erf) = vrcp.f32 v10  }
0x60: {  	v7 =	vld.idx.msk [tilespmem:v7+s5+$0x0], $0xffff;
	(erf) = vrcp.f32 v11  }
0x61: {  	v9 =	vld [tilespmem:s9+$0x18700];
	(erf) = vrcp.f32 v22  }
0x62: {  	v10 =	vld [tilespmem:s9+$0x18710];
	(erf) = vrcp.f32 v8  }
0x63: {  	v8 =	vld [tilespmem:s9+$0x18720];
	(erf) = vrcp.f32 v6  }
0x64: {  	v6 =	vld [tilespmem:s9+$0x18730];
	(erf) = vrcp.f32 v5  }
0x65: {  	v5 =	vld [tilespmem:s9+$0x18740];
	v11 =	vpop (erf)  }
0x66: {  	v32 =	vld [tilespmem:s9+$0x18750];
	v7 =	vmul.f32 v11, v7  }
0x67: {  	v11 =	vld [tilespmem:s9+$0x18760];
	v22 =	vpop (erf)  }
0x68: {  	v12 =	vadd.f32 v7, v12;
	v23 =	vpop (erf);
	v7 =	vld.idx.msk [tilespmem:v4+s5+$0x0], $0xffff  }
0x69: {  	v27 =	vld.idx.msk [tilespmem:v9+s5+$0x0], $0xffff;
	v24 =	vpop (erf)  }
.Ltmp0:
0x6a: {  	v31 =	vld.idx.msk [tilespmem:v10+s5+$0x0], $0xffff;
	v25 =	vpop (erf);
	(pc) =	sbr.rel @p0 .LBB2_3-.Ltmp0, $4  }
0x6b: {  	v28 =	vld.idx.msk [tilespmem:v8+s5+$0x0], $0xffff;
	v26 =	vpop (erf)  }
0x6c: {  	v29 =	vld.idx.msk [tilespmem:v6+s5+$0x0], $0xffff;
	v21 =	vpop (erf);
	v4 =	vmov v11  }
0x6d: {  	v30 =	vld.idx.msk [tilespmem:v5+s5+$0x0], $0xffff;
	v5 =	vpop (erf)  }
0x6e: {  	s9 =	sshra.s32 s1, $0x2;
	s1 =	sadd.s32 $0x200, s1;
	v34 =	vmul.f32 v19, v7;
	v32 =	vld.idx.msk [tilespmem:v32+s5+$0x0], $0xffff;
	v19 =	vmov v5  }
0x6f: {  	v5 =	vld [tilespmem:s9+$0x1A770]  }
0x70: {  	v6 =	vld [tilespmem:s9+$0x18770]  }
0x71: {  	v7 =	vld [tilespmem:s9+$0x1A700]  }
0x72: {  	v8 =	vld [tilespmem:s9+$0x1A710]  }
0x73: {  	v9 =	vld [tilespmem:s9+$0x1A720]  }
0x74: {  	v10 =	vld [tilespmem:s9+$0x1A730]  }
0x75: {  	v11 =	vld [tilespmem:s9+$0x1A740]  }
0x76: {  	v35 =	vld [tilespmem:s9+$0x1A750]  }
0x77: {  	v36 =	vld [tilespmem:s9+$0x1A760]  }
0x78: {  	v33 =	vld [tilespmem:s9+$0x18710]  }
0x79: {  	v38 =	vld [tilespmem:s9+$0x18720]  }
0x7a: {  	v39 =	vld [tilespmem:s9+$0x18730]  }
0x7b: {  	v40 =	vld [tilespmem:s9+$0x18740]  }
0x7c: {  	v41 =	vld [tilespmem:s9+$0x18750]  }
0x7d: {  	v42 =	vld [tilespmem:s9+$0x18760];
	s1 =	sshll.u32 s2, $0x9  }
0x7e: {  	v43 =	vld.idx.msk [tilespmem:v4+s5+$0x0], $0xffff;
	s1 =	sshra.s32 s1, $0x2  }
0x7f: {  	v4 =	vld.idx.msk [tilespmem:v1+s1+$0x70 ss:$0x1], $0xffff  }
0x80: {  	(erf) = vrcp.f32 v5;
	v5 =	vld.idx.msk [tilespmem:v1+s1+$0x60 ss:$0x1], $0xffff  }
0x81: {  	(erf) = vrcp.f32 v7;
	v7 =	vld.idx.msk [tilespmem:v1+s1+$0x40 ss:$0x1], $0xffff  }
0x82: {  	(erf) = vrcp.f32 v8;
	v8 =	vld.idx.msk [tilespmem:v1+s1+$0x30 ss:$0x1], $0xffff  }
0x83: {  	v37 =	vld.idx.msk [tilespmem:v6+s5+$0x0], $0xffff  }
0x84: {  	v6 =	vld [tilespmem:s9+$0x18700];
	(erf) = vrcp.f32 v9  }
0x85: {  	v45 =	vld.idx.msk [tilespmem:v33+s5+$0x0], $0xffff;
	(erf) = vrcp.f32 v10  }
0x86: {  	v38 =	vld.idx.msk [tilespmem:v38+s5+$0x0], $0xffff;
	(erf) = vrcp.f32 v11  }
0x87: {  	v39 =	vld.idx.msk [tilespmem:v39+s5+$0x0], $0xffff;
	(erf) = vrcp.f32 v35  }
0x88: {  	s2 =	sadd.s32 $0x1, s2;
	v40 =	vld.idx.msk [tilespmem:v40+s5+$0x0], $0xffff;
	(erf) = vrcp.f32 v36  }
0x89: {  	p0 =	slt.s32 s2, s8;
	v33 =	vld.idx.msk [tilespmem:v41+s5+$0x0], $0xffff;
	s9 =	smov.u32 s8  }
0x8a: {  	v41 =	vld.idx.msk [tilespmem:v42+s5+$0x0], $0xffff;
	s9 =	smov.u32 @p0 s2;
	v35 =	vpop (erf)  }
0x8b: {  	v9 =	vld.idx.msk [tilespmem:v1+s1+$0x20 ss:$0x1], $0xffff;
	s9 =	sshll.u32 s9, $0x7;
	v36 =	vpop (erf)  }
0x8c: {  	v10 =	vld.idx.msk [tilespmem:v1+s1+$0x10 ss:$0x1], $0xffff;
	s9 =	sadd.s32 s6, s9;
	v42 =	vpop (erf)  }
0x8d: {  	v11 =	vld.idx.msk [tilespmem:v1+s1+$0x0 ss:$0x1], $0xffff;
	s9 =	sand.u32 $0x1FFFFF80, s9;
	v46 =	vpop (erf)  }
0x8e: {  	s31 =	sadd.s32 s3, s9;
	v44 =	vld.idx.msk [tilespmem:v6+s5+$0x0], $0xffff;
	v47 =	vpop (erf)  }
0x8f: {  	v6 =	vld.idx.msk [tilespmem:v1+s1+$0x50 ss:$0x1], $0xffff;
	[tilespmem:s20], [sflag:$0x1] =	stream.strided.gather [hbm4b:s31+s18], $0x1000, s19, s18, $0x38;
	v48 =	vpop (erf)  }
0x90: {  	s9 =	sadd.s32 s4, s9;
	v49 =	vpop (erf)  }
0x91: {  	[tilespmem:s21], [sflag:$0x1] =	stream.strided.gather [hbm4b:s9+s18], $0x1000, s19, s18, $0x38;
	v50 =	vpop (erf);
	[tilespmem:$0x1E780] =	vst v63  }
0x92: {  	_ =	swait.ge [sflag:s26], $0x1000  }
0x93: {  	[sflag:s26] =	ssyncset.done $0x0  }
0x94: {  	[sflag:s26] =	ssyncadd.s32 $0xFFFFF000  }
0x95: {  	_ =	swait.ge [sflag:s26], $0x1000  }
0x96: {  	[sflag:s26] =	ssyncset.done $0x0  }
0x97: {  	s9 =	simm.s32 $0x0;
	[sflag:s26] =	ssyncadd.s32 $0xFFFFF000  }
0x98: {  	v51 =	vld [tilespmem:s9+$0x1B770]  }
0x99: {  	v52 =	vld [tilespmem:s9+$0x19770]  }
0x9a: {  	v53 =	vld [tilespmem:s9+$0x1B700]  }
0x9b: {  	v54 =	vld [tilespmem:s9+$0x1B710]  }
0x9c: {  	v55 =	vld [tilespmem:s9+$0x1B720]  }
0x9d: {  	v56 =	vld [tilespmem:s9+$0x1B730]  }
0x9e: {  	v57 =	vld [tilespmem:s9+$0x1B740]  }
0x9f: {  	v58 =	vld [tilespmem:s9+$0x1B750]  }
0xa0: {  	v59 =	vld [tilespmem:s9+$0x1B760]  }
0xa1: {  	v60 =	vld [tilespmem:s9+$0x19700]  }
0xa2: {  	v61 =	vld [tilespmem:s9+$0x19710]  }
0xa3: {  	v62 =	vld [tilespmem:s9+$0x19720]  }
0xa4: {  	v63 =	vld [tilespmem:s9+$0x19730]  }
0xa5: {  	v0 =	vld [tilespmem:s9+$0x19740]  }
0xa6: {  	v3 =	vld [tilespmem:s9+$0x19750]  }
0xa7: {  	v2 =	vld [tilespmem:s9+$0x19760];
	s9 =	simm.s32 $0x80  }
0xa8: {  	v22 =	vmul.f32 v22, v27;
	v27 =	vld [tilespmem:s9+$0x1B700]  }
0xa9: {  	v23 =	vmul.f32 v23, v31;
	v31 =	vld [tilespmem:s9+$0x1B710]  }
0xaa: {  	v24 =	vmul.f32 v24, v28;
	v28 =	vld [tilespmem:s9+$0x1B720]  }
0xab: {  	v16 =	vadd.f32 v22, v16;
	v22 =	vmul.f32 v25, v29;
	v25 =	vld [tilespmem:s9+$0x1B730]  }
0xac: {  	v17 =	vadd.f32 v23, v17;
	v23 =	vmul.f32 v26, v30;
	v26 =	vld [tilespmem:s9+$0x1B740]  }
0xad: {  	v18 =	vadd.f32 v24, v18;
	v24 =	vld [tilespmem:s9+$0x1B750]  }
0xae: {  	v15 =	vadd.f32 v22, v15;
	v22 =	vmul.f32 v35, v37;
	v35 =	vld [tilespmem:s9+$0x19710];
	(erf) = vrcp.f32 v51  }
0xaf: {  	v29 =	vld [tilespmem:s9+$0x19760];
	(erf) = vrcp.f32 v53  }
0xb0: {  	v51 =	vld [tilespmem:s9+$0x1B770];
	(erf) = vrcp.f32 v54  }
0xb1: {  	v53 =	vld [tilespmem:s9+$0x19770];
	(erf) = vrcp.f32 v55  }
0xb2: {  	v52 =	vld.idx.msk [tilespmem:v52+s5+$0x0], $0xffff;
	(erf) = vrcp.f32 v56  }
0xb3: {  	v60 =	vld.idx.msk [tilespmem:v60+s5+$0x0], $0xffff;
	(erf) = vrcp.f32 v57  }
0xb4: {  	v61 =	vld.idx.msk [tilespmem:v61+s5+$0x0], $0xffff;
	(erf) = vrcp.f32 v58  }
0xb5: {  	v62 =	vld.idx.msk [tilespmem:v62+s5+$0x0], $0xffff;
	(erf) = vrcp.f32 v59  }
0xb6: {  	v63 =	vld.idx.msk [tilespmem:v63+s5+$0x0], $0xffff;
	(erf) = vrcp.f32 v51  }
0xb7: {  	v20 =	vadd.f32 v34, v20;
	v21 =	vmul.f32 v21, v32;
	v0 =	vld.idx.msk [tilespmem:v0+s5+$0x0], $0xffff;
	v30 =	vpop (erf);
	(erf) = vrcp.f32 v27  }
0xb8: {  	v14 =	vadd.f32 v23, v14;
	v19 =	vmul.f32 v19, v43;
	v27 =	vld [tilespmem:s9+$0x1B760];
	v23 =	vpop (erf);
	(erf) = vrcp.f32 v31  }
0xb9: {  	v12 =	vadd.f32 v22, v12;
	v22 =	vmul.f32 v42, v45;
	v55 =	vld [tilespmem:s9+$0x19730];
	v32 =	vpop (erf);
	(erf) = vrcp.f32 v28  }
0xba: {  	v13 =	vadd.f32 v21, v13;
	v21 =	vmul.f32 v36, v44;
	v28 =	vld [tilespmem:s9+$0x19700];
	v34 =	vpop (erf);
	(erf) = vrcp.f32 v25  }
0xbb: {  	v19 =	vadd.f32 v19, v20;
	v20 =	vmul.f32 v46, v38;
	v31 =	vld.idx.msk [tilespmem:v53+s5+$0x0], $0xffff;
	v51 =	vpop (erf);
	(erf) = vrcp.f32 v26  }
0xbc: {  	v53 =	vld [tilespmem:s9+$0x19720];
	v26 =	vadd.f32 v21, v16;
	v16 =	vmul.f32 v47, v39;
	v54 =	vpop (erf);
	(erf) = vrcp.f32 v24  }
0xbd: {  	v59 =	vld [tilespmem:s9+$0x19750];
	v24 =	vadd.f32 v22, v17;
	v17 =	vmul.f32 v48, v40;
	v56 =	vpop (erf);
	(erf) = vrcp.f32 v27  }
0xbe: {  	v57 =	vld [tilespmem:s9+$0x19740];
	v21 =	vmul.f32 v50, v41;
	v27 =	vadd.f32 v20, v18;
	v58 =	vpop (erf)  }
0xbf: {  	v3 =	vld.idx.msk [tilespmem:v3+s5+$0x0], $0xffff;
	v18 =	vmul.f32 v49, v33;
	v25 =	vadd.f32 v16, v15;
	v22 =	vadd.f32 v17, v14;
	v14 =	vpop (erf)  }
0xc0: {  	v2 =	vld.idx.msk [tilespmem:v2+s5+$0x0], $0xffff;
	v15 =	vmul.f32 v23, v60;
	v23 =	vimm.f32 $0.0e+00;
	v16 =	vmul.f32 v32, v61;
	v37 =	vpop (erf)  }
0xc1: {  	v41 =	vld.idx.msk [tilespmem:v35+s5+$0x0], $0xffff;
	v20 =	vadd.f32 v18, v13;
	v13 =	vmul.f32 v30, v52;
	v30 =	vmul.f32 v51, v63;
	v38 =	vpop (erf)  }
0xc2: {  	v0 =	vmul.f32 v54, v0;
	v40 =	vld.idx.msk [tilespmem:v28+s5+$0x0], $0xffff;
	v28 =	vadd.f32 v15, v23;
	v15 =	vmul.f32 v14, v31;
	v36 =	vpop (erf)  }
0xc3: {  	v35 =	vld.idx.msk [tilespmem:v55+s5+$0x0], $0xffff;
	v17 =	vadd.f32 v21, v19;
	v18 =	vmul.f32 v34, v62;
	v21 =	vadd.f32 v16, v23;
	v32 =	vpop (erf)  }
0xc4: {  	v3 =	vmul.f32 v56, v3;
	v16 =	vadd.f32 v0, v23;
	v39 =	vld.idx.msk [tilespmem:v53+s5+$0x0], $0xffff;
	v13 =	vadd.f32 v13, v23;
	v31 =	vpop (erf)  }
0xc5: {  	v33 =	vld.idx.msk [tilespmem:v59+s5+$0x0], $0xffff;
	v19 =	vadd.f32 v18, v23;
	v18 =	vadd.f32 v30, v23;
	v30 =	vpop (erf)  }
0xc6: {  	s1 =	sadd.s32 s1, s6;
	s31 =	simm.s32 $0x100;
	s9 =	simm.s32 $0x600;
	v34 =	vld.idx.msk [tilespmem:v57+s5+$0x0], $0xffff;
	v42 =	vmul.f32 v58, v2;
	v14 =	vadd.f32 v3, v23;
	v13 =	vadd.f32 v15, v13;
	v15 =	vpop (erf)  }
.LBB2_5:
0xc7: {  	p0 =	sne.s32 s9, $0x3E00;
	v0 =	vld [tilespmem:s31+$0x1B770];
	v2 =	vmul.f32 v37, v40  }
0xc8: {  	v37 =	vmul.f32 v38, v41;
	v3 =	vld [tilespmem:s31+$0x19770];
	v23 =	vadd.f32 v42, v23  }
0xc9: {  	v38 =	vld [tilespmem:s31+$0x1B700];
	v28 =	vadd.f32 v2, v28;
	v2 =	vmul.f32 v36, v39  }
0xca: {  	v21 =	vadd.f32 v37, v21;
	v32 =	vmul.f32 v32, v35;
	v36 =	vld [tilespmem:s31+$0x1B710]  }
0xcb: {  	v35 =	vld [tilespmem:s31+$0x1B720];
	v19 =	vadd.f32 v2, v19;
	v2 =	vmul.f32 v31, v34  }
0xcc: {  	v18 =	vadd.f32 v32, v18;
	v31 =	vld [tilespmem:s31+$0x1B730];
	(erf) = vrcp.f32 v0;
	v0 =	vmul.f32 v30, v33  }
0xcd: {  	v30 =	vld [tilespmem:s31+$0x1B740];
	v16 =	vadd.f32 v2, v16  }
0xce: {  	v2 =	vld [tilespmem:s31+$0x1B750];
	(erf) = vrcp.f32 v38;
	v14 =	vadd.f32 v0, v14  }
0xcf: {  	v0 =	vld [tilespmem:s31+$0x1B760];
	(erf) = vrcp.f32 v36  }
0xd0: {  	v3 =	vld.idx.msk [tilespmem:v3+s5+$0x0], $0xffff;
	(erf) = vrcp.f32 v35  }
0xd1: {  	v32 =	vld [tilespmem:s31+$0x19700];
	(erf) = vrcp.f32 v31  }
0xd2: {  	v31 =	vld [tilespmem:s31+$0x19710];
	(erf) = vrcp.f32 v30  }
0xd3: {  	v30 =	vld [tilespmem:s31+$0x19720];
	(erf) = vrcp.f32 v2  }
0xd4: {  	v2 =	vld [tilespmem:s31+$0x19730];
	(erf) = vrcp.f32 v0  }
0xd5: {  	v0 =	vld [tilespmem:s31+$0x19740];
	v33 =	vpop (erf)  }
0xd6: {  	v42 =	vld [tilespmem:s31+$0x19750];
	v3 =	vmul.f32 v33, v3  }
0xd7: {  	v33 =	vld [tilespmem:s31+$0x19760];
	v37 =	vpop (erf)  }
0xd8: {  	v13 =	vadd.f32 v3, v13;
	v38 =	vpop (erf);
	v3 =	vld.idx.msk [tilespmem:v29+s5+$0x0], $0xffff  }
0xd9: {  	v40 =	vld.idx.msk [tilespmem:v32+s5+$0x0], $0xffff;
	v36 =	vpop (erf)  }
.Ltmp1:
0xda: {  	v41 =	vld.idx.msk [tilespmem:v31+s5+$0x0], $0xffff;
	v32 =	vpop (erf);
	(pc) =	sbr.rel @p0 .LBB2_5-.Ltmp1, $4  }
0xdb: {  	v39 =	vld.idx.msk [tilespmem:v30+s5+$0x0], $0xffff;
	v31 =	vpop (erf)  }
0xdc: {  	v35 =	vld.idx.msk [tilespmem:v2+s5+$0x0], $0xffff;
	v30 =	vpop (erf);
	v29 =	vmov v33  }
0xdd: {  	v34 =	vld.idx.msk [tilespmem:v0+s5+$0x0], $0xffff;
	v0 =	vpop (erf)  }
0xde: {  	s31 =	sshra.s32 s9, $0x2;
	s9 =	sadd.s32 $0x200, s9;
	v33 =	vld.idx.msk [tilespmem:v42+s5+$0x0], $0xffff;
	v42 =	vmul.f32 v15, v3;
	v15 =	vmov v0  }
0xdf: {  	v0 =	vld [tilespmem:s31+$0x1B770]  }
0xe0: {  	v2 =	vld [tilespmem:s31+$0x19770]  }
0xe1: {  	v3 =	vld [tilespmem:s31+$0x1B700]  }
0xe2: {  	v43 =	vld [tilespmem:s31+$0x1B710]  }
0xe3: {  	v44 =	vld [tilespmem:s31+$0x1B720]  }
0xe4: {  	v45 =	vld [tilespmem:s31+$0x1B730]  }
0xe5: {  	v46 =	vld [tilespmem:s31+$0x1B740];
	(erf) = vrcp.f32 v0  }
0xe6: {  	(erf) = vrcp.f32 v3;
	v3 =	vld [tilespmem:$0x1FFE0]  }
0xe7: {  	v47 =	vld [tilespmem:s31+$0x1B750]  }
0xe8: {  	v48 =	vld [tilespmem:s31+$0x19700]  }
0xe9: {  	v11 =	vmul.f32 v11, v26;
	v54 =	vld [tilespmem:s31+$0x19710]  }
0xea: {  	v55 =	vld [tilespmem:s31+$0x19720]  }
0xeb: {  	v10 =	vmul.f32 v10, v24;
	v56 =	vld [tilespmem:s31+$0x19730];
	v3 =	vadd.f32 v11, v3  }
0xec: {  	v57 =	vld [tilespmem:s31+$0x19740]  }
0xed: {  	v9 =	vmul.f32 v9, v27;
	v58 =	vld [tilespmem:s31+$0x19750];
	(erf) = vrcp.f32 v43;
	v3 =	vadd.f32 v10, v3  }
0xee: {  	v59 =	vld [tilespmem:s31+$0x19760];
	(erf) = vrcp.f32 v44  }
0xef: {  	v8 =	vmul.f32 v8, v25;
	v63 =	vld.idx.msk [tilespmem:v29+s5+$0x0], $0xffff;
	v3 =	vadd.f32 v9, v3  }
0xf0: {  	v60 =	vld.idx.msk [tilespmem:v48+s5+$0x0], $0xffff;
	(erf) = vrcp.f32 v45  }
0xf1: {  	v37 =	vmul.f32 v37, v40;
	v7 =	vmul.f32 v7, v22;
	v0 =	vld [tilespmem:s31+$0x1B760];
	v3 =	vadd.f32 v8, v3  }
0xf2: {  	v62 =	vmul.f32 v38, v41;
	v61 =	vld.idx.msk [tilespmem:v54+s5+$0x0], $0xffff;
	(erf) = vrcp.f32 v46  }
0xf3: {  	v6 =	vmul.f32 v6, v20;
	v5 =	vmul.f32 v5, v17;
	v11 =	vld.idx.msk [tilespmem:v55+s5+$0x0], $0xffff;
	v40 =	vpop (erf);
	v3 =	vadd.f32 v7, v3  }
0xf4: {  	v4 =	vmul.f32 v4, v12;
	v23 =	vadd.f32 v42, v23;
	v44 =	vld [tilespmem:s1+$0x0];
	(erf) = vrcp.f32 v47;
	v43 =	vpop (erf)  }
0xf5: {  	v41 =	vadd.f32 v37, v28;
	v24 =	vld.idx.msk [tilespmem:v56+s5+$0x0], $0xffff;
	v25 =	vmul.f32 v43, v60;
	v3 =	vadd.f32 v6, v3  }
0xf6: {  	v42 =	vmul.f32 v36, v39;
	v46 =	vadd.f32 v62, v21;
	v47 =	vld [tilespmem:s1+$0x10];
	(erf) = vrcp.f32 v0;
	v45 =	vpop (erf)  }
0xf7: {  	v10 =	vld.idx.msk [tilespmem:v57+s5+$0x0], $0xffff;
	v0 =	vmul.f32 v45, v61;
	v17 =	vpop (erf);
	v7 =	vadd.f32 v25, v41;
	v3 =	vadd.f32 v5, v3  }
0xf8: {  	v49 =	vadd.f32 v42, v19;
	v48 =	vmul.f32 v32, v35;
	v11 =	vmul.f32 v17, v11;
	v17 =	vld [tilespmem:s1+$0x20]  }
0xf9: {  	v50 =	vld.idx.msk [tilespmem:v58+s5+$0x0], $0xffff;
	v19 =	vpop (erf);
	v0 =	vadd.f32 v0, v46;
	v51 =	vmul.f32 v44, v7;
	v3 =	vadd.f32 v4, v3  }
0xfa: {  	v52 =	vmul.f32 v31, v34;
	v53 =	vmul.f32 v19, v24;
	v5 =	vadd.f32 v48, v18;
	v18 =	vld [tilespmem:s1+$0x30]  }
0xfb: {  	v56 =	vld [tilespmem:s1+$0x40];
	v19 =	vpop (erf);
	v11 =	vadd.f32 v11, v49;
	v0 =	vmul.f32 v47, v0;
	v3 =	vadd.f32 v51, v3  }
0xfc: {  	v54 =	vmul.f32 v30, v33;
	v9 =	vld.idx.msk [tilespmem:v59+s5+$0x0], $0xffff;
	v55 =	vmul.f32 v19, v10;
	v6 =	vadd.f32 v52, v16  }
0xfd: {  	v2 =	vld.idx.msk [tilespmem:v2+s5+$0x0], $0xffff;
	v57 =	vpop (erf);
	v5 =	vadd.f32 v53, v5;
	v0 =	vadd.f32 v0, v3;
	v3 =	vmul.f32 v17, v11  }
0xfe: {  	v58 =	vmul.f32 v15, v63;
	v60 =	vld [tilespmem:s1+$0x50];
	v59 =	vmul.f32 v57, v50;
	v4 =	vadd.f32 v54, v14  }
0xff: {  	v6 =	vadd.f32 v55, v6;
	v0 =	vadd.f32 v3, v0;
	v3 =	vmul.f32 v18, v5  }
0x100: {  	v62 =	vld [tilespmem:s1+$0x60];
	v7 =	vadd.f32 v58, v23;
	v61 =	vpop (erf);
	v4 =	vadd.f32 v59, v4  }
0x101: {  	v5 =	vmul.f32 v61, v9;
	v0 =	vadd.f32 v3, v0;
	v3 =	vmul.f32 v56, v6  }
0x102: {  	v63 =	vld [tilespmem:s1+$0x70];
	v2 =	vmul.f32 v40, v2  }
0x103: {  	v5 =	vadd.f32 v5, v7;
	v0 =	vadd.f32 v3, v0;
	v3 =	vmul.f32 v60, v4  }
0x104: {  	p0 =	sne.s32 s2, s7  }
.Ltmp2:
0x105: {  	v2 =	vadd.f32 v2, v13;
	v0 =	vadd.f32 v3, v0;
	v3 =	vmul.f32 v62, v5;
	(pc) =	sbr.rel @p0 .LBB2_2-.Ltmp2, $3  }
0x106: {  	_ = 	snop  }
0x107: {  	v2 =	vmul.f32 v63, v2;
	v0 =	vadd.f32 v3, v0;
	_ =	sdelay $0x1  }
0x108: {  	v16 =	vadd.f32 v2, v0  }
0x109: {  	_ =	swait.ge [sflag:s25], $0x1000  }
0x10a: {  	[sflag:s25] =	ssyncset.done $0x0  }
0x10b: {  	[sflag:s25] =	ssyncadd.s32 $0xFFFFF000  }
0x10c: {  	_ =	swait.ge [sflag:s25], $0x1000  }
0x10d: {  	[sflag:s25] =	ssyncset.done $0x0  }
0x10e: {  	[sflag:s25] =	ssyncadd.s32 $0xFFFFF000  }
0x10f: {  	[tilespmem:s28], [sflag:$0x4] =	stream.strided.gather [hbm4b:s12+s18], $0x1000, s19, s18, $0x38;
	[tilespmem:$0x1E780] =	vst v63  }
0x110: {  	_ =	swait.ge [sflag:s29], $0x1000  }
0x111: {  	[sflag:s29] =	ssyncset.done $0x0  }
0x112: {  	[sflag:s29] =	ssyncadd.s32 $0xFFFFF000  }
0x113: {  	[tilespmem:s30], [sflag:$0x4] =	stream.strided.gather [hbm4b:s13+s18], $0x1000, s19, s18, $0x38;
	[tilespmem:$0x1E780] =	vst v63  }
0x114: {  	_ =	swait.ge [sflag:s29], $0x1000  }
0x115: {  	[sflag:s29] =	ssyncset.done $0x0  }
0x116: {  	s1 =	simm.s32 $0x0;
	[sflag:s29] =	ssyncadd.s32 $0xFFFFF000  }
0x117: {  	v0 =	vld [tilespmem:s1+$0x1D710];
	_ =	sdelay $0x1  }
0x118: {  	v2 =	vld [tilespmem:s1+$0x1C710]  }
0x119: {  	v3 =	vld [tilespmem:s1+$0x1D700];
	_ =	sdelay $0x1  }
0x11a: {  	(erf) = vrcp.f32 v0  }
0x11b: {  	v0 =	vld [tilespmem:s1+$0x1C700]  }
0x11c: {  	s31 =	simm.s32 $0x80  }
0x11d: {  	v4 =	vld [tilespmem:s31+$0x1D710];
	(erf) = vrcp.f32 v3  }
0x11e: {  	v6 =	vld [tilespmem:s31+$0x1C710]  }
0x11f: {  	v2 =	vld.idx.msk [tilespmem:v2+s5+$0x0], $0xffff  }
0x120: {  	v7 =	vld [tilespmem:s31+$0x1D700];
	_ =	sdelay $0x1  }
0x121: {  	v8 =	vld [tilespmem:s31+$0x1C700]  }
0x122: {  	v5 =	vld.idx.msk [tilespmem:v0+s5+$0x0], $0xffff;
	v3 =	vpop (erf);
	(erf) = vrcp.f32 v4  }
0x123: {  	v2 =	vmul.f32 v3, v2  }
0x124: {  	s2 =	simm.s32 $0x100;
	v3 =	vimm.f32 $0.0e+00;
	(erf) = vrcp.f32 v7  }
0x125: {  	v9 =	vld [tilespmem:s2+$0x1D710];
	s1 =	simm.s32 $0x600;
	v7 =	vpop (erf);
	v4 =	vadd.f32 v2, v3  }
.LBB2_8:
0x126: {  	p0 =	sne.s32 s1, $0x3E00;
	v0 =	vld.idx.msk [tilespmem:v6+s5+$0x0], $0xffff  }
0x127: {  	v2 =	vmul.f32 v7, v5;
	v6 =	vld [tilespmem:s2+$0x1C710]  }
0x128: {  	v7 =	vld [tilespmem:s2+$0x1D700]  }
0x129: {  	v3 =	vadd.f32 v2, v3;
	v10 =	vld [tilespmem:s2+$0x1C700]  }
.Ltmp3:
0x12a: {  	v5 =	vld.idx.msk [tilespmem:v8+s5+$0x0], $0xffff;
	(pc) =	sbr.rel @p0 .LBB2_8-.Ltmp3, $4  }
0x12b: {  	(erf) = vrcp.f32 v9;
	v2 =	vpop (erf)  }
0x12c: {  	v0 =	vmul.f32 v2, v0  }
0x12d: {  	s2 =	sshra.s32 s1, $0x2;
	(erf) = vrcp.f32 v7;
	v7 =	vpop (erf)  }
0x12e: {  	s1 =	sadd.s32 $0x200, s1;
	v9 =	vld [tilespmem:s2+$0x1D710];
	v4 =	vadd.f32 v0, v4;
	v8 =	vmov v10  }
0x12f: {  	v0 =	vld [tilespmem:s2+$0x1D700];
	_ =	sdelay $0x3  }
0x130: {  	(erf) = vrcp.f32 v9  }
0x131: {  	v2 =	vld [tilespmem:s2+$0x1C710];
	(erf) = vrcp.f32 v0  }
0x132: {  	v9 =	vld [tilespmem:s2+$0x1C700];
	_ =	sdelay $0x4  }
0x133: {  	v0 =	vld.idx.msk [tilespmem:v6+s5+$0x0], $0xffff;
	v6 =	vpop (erf)  }
0x134: {  	v8 =	vld.idx.msk [tilespmem:v8+s5+$0x0], $0xffff;
	v10 =	vpop (erf)  }
0x135: {  	v2 =	vld.idx.msk [tilespmem:v2+s5+$0x0], $0xffff;
	v11 =	vpop (erf)  }
0x136: {  	v9 =	vld.idx.msk [tilespmem:v9+s5+$0x0], $0xffff;
	[tilespmem:s28], [sflag:$0x4] =	stream.strided.gather [hbm4b:s14+s18], $0x1000, s19, s18, $0x38;
	v12 =	vpop (erf)  }
0x137: {  	_ =	swait.ge [sflag:s29], $0x1000  }
0x138: {  	[sflag:s29] =	ssyncset.done $0x0  }
0x139: {  	[sflag:s29] =	ssyncadd.s32 $0xFFFFF000  }
0x13a: {  	[tilespmem:s30], [sflag:$0x4] =	stream.strided.gather [hbm4b:s15+s18], $0x1000, s19, s18, $0x38;
	[tilespmem:$0x1E780] =	vst v63  }
0x13b: {  	_ =	swait.ge [sflag:s29], $0x1000  }
0x13c: {  	[sflag:s29] =	ssyncset.done $0x0  }
0x13d: {  	s1 =	simm.s32 $0x0;
	[sflag:s29] =	ssyncadd.s32 $0xFFFFF000  }
0x13e: {  	v13 =	vld [tilespmem:s1+$0x1D710];
	_ =	sdelay $0x1  }
0x13f: {  	v14 =	vld [tilespmem:s1+$0x1C710];
	_ =	sdelay $0x1  }
0x140: {  	v15 =	vld [tilespmem:s1+$0x1D700]  }
0x141: {  	(erf) = vrcp.f32 v13  }
0x142: {  	v62 =	vld [tilespmem:s1+$0x1C700];
	_ =	sdelay $0x1  }
0x143: {  	v5 =	vmul.f32 v7, v5;
	s31 =	simm.s32 $0x80  }
0x144: {  	v0 =	vmul.f32 v6, v0;
	v63 =	vld [tilespmem:s31+$0x1D710];
	(erf) = vrcp.f32 v15  }
0x145: {  	v3 =	vadd.f32 v5, v3;
	v5 =	vmul.f32 v10, v8;
	v7 =	vld.idx.msk [tilespmem:v14+s5+$0x0], $0xffff  }
0x146: {  	v0 =	vadd.f32 v0, v4;
	v4 =	vld [tilespmem:s31+$0x1C710]  }
0x147: {  	v8 =	vld [tilespmem:s31+$0x1D700];
	_ =	sdelay $0x1  }
0x148: {  	v3 =	vadd.f32 v5, v3;
	v2 =	vmul.f32 v11, v2;
	v6 =	vld.idx.msk [tilespmem:v62+s5+$0x0], $0xffff;
	v5 =	vpop (erf)  }
0x149: {  	(erf) = vrcp.f32 v63;
	v10 =	vmul.f32 v5, v7;
	v7 =	vld [tilespmem:s31+$0x1C700]  }
0x14a: {  	v0 =	vadd.f32 v2, v0;
	v2 =	vmul.f32 v12, v9  }
0x14b: {  	s2 =	simm.s32 $0x100;
	(erf) = vrcp.f32 v8  }
0x14c: {  	v9 =	vld [tilespmem:s2+$0x1D710];
	s1 =	simm.s32 $0x600;
	v5 =	vadd.f32 v2, v3;
	v8 =	vpop (erf);
	v3 =	vadd.f32 v10, v0  }
.LBB2_10:
0x14d: {  	p0 =	sne.s32 s1, $0x3E00;
	v0 =	vld.idx.msk [tilespmem:v4+s5+$0x0], $0xffff  }
0x14e: {  	v2 =	vmul.f32 v8, v6;
	v4 =	vld [tilespmem:s2+$0x1C710]  }
0x14f: {  	v8 =	vld [tilespmem:s2+$0x1D700]  }
0x150: {  	v5 =	vadd.f32 v2, v5;
	v10 =	vld [tilespmem:s2+$0x1C700]  }
.Ltmp4:
0x151: {  	v6 =	vld.idx.msk [tilespmem:v7+s5+$0x0], $0xffff;
	(pc) =	sbr.rel @p0 .LBB2_10-.Ltmp4, $4  }
0x152: {  	(erf) = vrcp.f32 v9;
	v2 =	vpop (erf)  }
0x153: {  	v0 =	vmul.f32 v2, v0  }
0x154: {  	s2 =	sshra.s32 s1, $0x2;
	(erf) = vrcp.f32 v8;
	v8 =	vpop (erf)  }
0x155: {  	s1 =	sadd.s32 $0x200, s1;
	v9 =	vld [tilespmem:s2+$0x1D710];
	v3 =	vadd.f32 v0, v3;
	v7 =	vmov v10  }
0x156: {  	v0 =	vld [tilespmem:s2+$0x1D700]  }
0x157: {  	v2 =	vld [tilespmem:s2+$0x1C700]  }
0x158: {  	v10 =	vld [tilespmem:s2+$0x1C710];
	_ =	sdelay $0x1  }
0x159: {  	(erf) = vrcp.f32 v9  }
0x15a: {  	(erf) = vrcp.f32 v0;
	_ =	sdelay $0x1  }
0x15b: {  	v4 =	vld.idx.msk [tilespmem:v4+s5+$0x0], $0xffff  }
0x15c: {  	v0 =	vld.idx.msk [tilespmem:v7+s5+$0x0], $0xffff  }
0x15d: {  	v2 =	vld.idx.msk [tilespmem:v2+s5+$0x0], $0xffff  }
0x15e: {  	v58 =	vld.idx.msk [tilespmem:v10+s5+$0x0], $0xffff  }
0x15f: {  	v6 =	vmul.f32 v8, v6;
	v56 =	vpop (erf)  }
0x160: {  	v4 =	vmul.f32 v56, v4;
	v57 =	vpop (erf)  }
0x161: {  	v5 =	vadd.f32 v6, v5;
	v0 =	vmul.f32 v57, v0;
	v59 =	vpop (erf)  }
0x162: {  	v3 =	vadd.f32 v4, v3;
	v60 =	vpop (erf)  }
0x163: {  	v61 =	vld [tilespmem:$0x18680];
	v0 =	vadd.f32 v0, v5;
	v63 =	vmul.f32 v59, v58;
	v2 =	vmul.f32 v60, v2  }
0x164: {  	v62 =	vld [tilespmem:$0x18690]  }
0x165: {  	v0 =	vadd.f32 v2, v0;
	v2 =	vadd.f32 v63, v3;
	v3 =	vld [tilespmem:$0x1FFF0];
	_ =	sdelay $0x2  }
0x166: {  	v0 =	vmul.f32 v61, v0;
	_ =	sdelay $0x1  }
0x167: {  	v2 =	vmul.f32 v62, v2;
	v0 =	vmul.f32 v0, v3;
	_ =	sdelay $0x1  }
0x168: {  	v2 =	vmul.f32 v2, v3;
	v0 =	vadd.f32 v0, v16;
	_ =	sdelay $0x1  }
0x169: {  	s0 =	sadd.s32 $0x1, s0;
	v0 =	vadd.f32 v2, v0  }
0x16a: {  	p0 =	sne.s32 s0, s17  }
.Ltmp5:
0x16b: {  	s1 =	simm.s32 $0x1E700;
	[tilespmem:$0x1E700] =	vst v0;
	(pc) =	sbr.rel @p0 .LBB2_1-.Ltmp5, $4  }
0x16c: {  	[hbm4b:s16+s5] =	stream.linear.scatter [tilespmem:s1], [sflag:$0x4], $0x80, $0x38;
	[tilespmem:$0x1E780] =	vst v63  }
0x16d: {  	_ =	swait.ge [sflag:s29], $0x80  }
0x16e: {  	[sflag:s29] =	ssyncset.done $0x0  }
0x16f: {  	[sflag:s29] =	ssyncadd.s32 $0xFFFFFF80  }
0x170: {  	_ =	sfence.sel $0x180000  }
0x171: {  	[bflag:$0x0] =	sbarrier.arrive $0xFFFF  }
0x172: {  	_ =	strace $0x90000047  }
0x173: {  	s0 =	stileid.u32;
	[bflag:$0x2] =	sbarrier.arrive $0xFFFF  }
0x174: {  	p0 =	sne.s32 s0, $0x0;
	s0 =	rddreg [dreg:$0x3]  }
0x175: {  	s0 =	sadd.s32 @!p0 $0x100000, s0  }
0x176: {  	[sflag:s0] =	ssyncadd.tile.s32 @!p0 $0x1;
	_ =	shalt  }
.Lfunc_end2:
_tile_overlayer_lowered:
.L_overlay_start_2:
0x177: {  	(tag) =	ssettag $0x2  }
0x178: {  	s0 =	rddreg [dreg:$0x0];
	s2 =	stileid.u32  }
0x179: {  	s1 =	rddreg [dreg:$0x1];
	p0 =	sne.s32 s2, $0x0  }
0x17a: {  	s3 =	rddreg [dreg:$0x2];
	[bflag:$0x3] =	sbarrier.arrive $0xFFFF;
	s2 =	simm.s32 @!p0 $0x1C04  }
0x17b: {  	[timem:s3], [sflag:s2] =	dma.local @!p0 [hbm:s0], s1  }
0x17c: {  	s0 =	simm.s32 @!p0 $0x4  }
0x17d: {  	_ =	swait.ge @!p0 [sflag:s0], s1  }
0x17e: {  	s1 =	ssub.s32 @!p0 $0x0, s1;
	[sflag:s0] =	ssyncset.done @!p0 $0x0  }
0x17f: {  	[sflag:s0] =	ssyncadd.s32 @!p0 s1  }
0x180: {  	[bflag:$0x3] =	sbarrier.arrive $0xFFFF  }
0x181: {  	_ =	shalt  }

</sc_bundles>
